<compile_context>
chip_gen: v7x
topology: tpu7x:2x2x1
jax: 0.10.2.dev20260603
libtpu: 0.0.44.dev20260713+nightly
codegen_flags: <defaults>
</compile_context>

<pallas_src>
import functools

import jax
import jax.numpy as jnp
from jax import lax
from jax.experimental import pallas as pl
from jax.experimental.pallas import tpu as pltpu
from jax.experimental.pallas import tpu_sc as plsc

L = 2048
NCORES = 2
NSUB = 16
NW = NCORES * NSUB
ROWS_PER_W = L // NW
BLK = 8
NBLK = ROWS_PER_W // BLK
NBUF_I = 4
NBUF_O = 2
LANES = 16
NCH = L // LANES

PARTNER_LUT = 0x4A52


def _body(con_hbm, seq_hbm, out_hbm, seq_v, codes_v, rowp_v, in_v, out_v,
          sem_in, sem_out):
    wid = lax.axis_index("s") * NCORES + lax.axis_index("c")
    row0 = wid * ROWS_PER_W

    def in_copy(blk, buf):
        return pltpu.make_async_copy(
            con_hbm.at[pl.ds(row0 + blk * BLK, BLK)], in_v.at[buf], sem_in)

    def out_copy(blk, buf):
        return pltpu.make_async_copy(
            out_v.at[buf], out_hbm.at[pl.ds(row0 + blk * BLK, BLK)], sem_out)

    for k in range(NBUF_I - 1):
        in_copy(k, k).start()

    pltpu.sync_copy(seq_hbm, seq_v)

    @plsc.parallel_loop(0, NCH, unroll=2)
    def _class_chunk(i):
        sl = pl.ds(i * LANES, LANES)
        v = seq_v[0, sl]
        c = jnp.zeros((LANES,), jnp.int32)
        for k in (1, 2, 3):
            s = seq_v[k, sl]
            upd = s > v
            c = jnp.where(upd, k, c)
            v = jnp.maximum(v, s)
        codes_v[sl] = jnp.int32(1) << c
        rowp_v[sl] = (jnp.int32(PARTNER_LUT) >> (c * 4)) & 0xF

    idx16 = lax.iota(jnp.int32, LANES)
    ftab = jnp.where(idx16 == 0, 0.0, 1.0).astype(jnp.float32)

    def block(blk, _):
        b = lax.rem(blk, NBUF_I)
        bo = lax.rem(blk, NBUF_O)

        @pl.when(blk + NBUF_I - 1 < NBLK)
        def _():
            in_copy(blk + NBUF_I - 1, lax.rem(blk + NBUF_I - 1, NBUF_I)).start()

        in_copy(blk, b).wait()

        @pl.when(blk >= NBUF_O)
        def _():
            out_copy(blk - NBUF_O, bo).wait()

        rowp16 = rowp_v[pl.ds(row0 + blk * BLK, LANES)]
        pvecs = [
            rowp16.at[jnp.full((LANES,), rr, jnp.int32)].get(
                mode="promise_in_bounds")
            for rr in range(BLK)
        ]

        @plsc.parallel_loop(0, NCH, unroll=2)
        def _cols(ci):
            sl = pl.ds(ci * LANES, LANES)
            code = codes_v[sl]
            for rr in range(BLK):
                x = code & pvecs[rr]
                fm = ftab.at[x].get(mode="promise_in_bounds")
                out_v[bo, rr, sl] = in_v[b, rr, sl] * fm

        out_copy(blk, bo).start()
        return 0

    lax.fori_loop(0, NBLK, block, 0)
    for k in range(NBUF_O):
        blk = NBLK - NBUF_O + k
        out_copy(blk, lax.rem(jnp.int32(blk), NBUF_O)).wait()


@jax.jit
def _canonicalize(con2d, seq):
    mesh = plsc.VectorSubcoreMesh(core_axis_name="c", subcore_axis_name="s")
    f = functools.partial(
        pl.kernel,
        mesh=mesh,
        out_type=jax.ShapeDtypeStruct((L, L), jnp.float32),
        scratch_types=[
            pltpu.VMEM((4, L), jnp.float32),
            pltpu.VMEM((L,), jnp.int32),
            pltpu.VMEM((L + LANES,), jnp.int32),
            pltpu.VMEM((NBUF_I, BLK, L), jnp.float32),
            pltpu.VMEM((NBUF_O, BLK, L), jnp.float32),
            pltpu.SemaphoreType.DMA,
            pltpu.SemaphoreType.DMA,
        ],
    )(_body)
    return f(con2d, seq)


def kernel(con, feat):
    con2d = con.reshape(L, L)
    seq = feat[0, :4, :, 0]
    out = _canonicalize(con2d, seq)
    return out.reshape(con.shape)

# --- scband reference (transcript-rebuilt; emitter-appended) ---
"""Pipeline reference for scband-canonicalize-33981781246428 (READ-ONLY COPY).

The authoritative reference and input builder live on the scoring server;
editing this copy changes nothing except your own understanding.
"""

import jax, jax.numpy as jnp
import numpy as np

# Module-level globals assumed by the original torch code (RNA base primes and canonical pair products)
BASE_PRIMES = jnp.array([2, 3, 5, 7], dtype=jnp.int32)  # A, U, G, C
PAIRS = [6, 15, 35]  # AU=2*3, GU=3*5 (wobble), GC=5*7


def setup_inputs(seed: int = 0) -> dict:
    key = jax.random.key(seed)
    k1, k2 = jax.random.split(key)
    L = 2048
    con = jax.random.normal(k1, (1, 1, L, L), dtype=jnp.float32)
    feat = jax.random.uniform(k2, (1, 8, L, L), dtype=jnp.float32)
    return {"con": con, "feat": feat}


def reference(con, feat):
    con_ = jnp.squeeze(con)
    seq = jnp.squeeze(feat)[: BASE_PRIMES.shape[0], :, 0]
    pairs = BASE_PRIMES[jnp.argmax(seq, axis=0)]
    pair_mat = jnp.outer(pairs, pairs)
    pair_mask = jnp.zeros(con_.shape, dtype=bool)
    for p in PAIRS:
        pair_mask = jnp.logical_or(pair_mask, pair_mat == p)
    out = jnp.where(pair_mask, con_, jnp.zeros_like(con_))
    return out.reshape(con.shape)

if __name__ == "__main__":
    import jax
    _d = setup_inputs()
    print(jax.jit(kernel)(*tuple(_d.values())))

</pallas_src>

<mosaic_0001>
#map = affine_map<(d0, d1) -> (0, 0)>
module attributes {stable_mosaic.version = 14 : i64} {
  func.func @_body(%arg0: i32, %arg1: i32, %arg2: memref<2048x2048xf32, #tpu.memory_space<hbm>>, %arg3: memref<4x2048xf32, #tpu.memory_space<hbm>>, %arg4: memref<2048x2048xf32, #tpu.memory_space<hbm>>, %arg5: memref<4x2048xf32, #tpu.memory_space<vmem>>, %arg6: memref<2048xi32, #tpu.memory_space<vmem>>, %arg7: memref<2064xi32, #tpu.memory_space<vmem>>, %arg8: memref<4x8x2048xf32, #tpu.memory_space<vmem>>, %arg9: memref<2x8x2048xf32, #tpu.memory_space<vmem>>, %arg10: memref<!tpu.dma_semaphore, #tpu.memory_space<semaphore_mem>>, %arg11: memref<!tpu.dma_semaphore, #tpu.memory_space<semaphore_mem>>) attributes {dimension_semantics = [#tpu.dimension_semantics<core_parallel>, #tpu.dimension_semantics<subcore_parallel>], iteration_bounds = array<i64: 2, 16>, scalar_prefetch = 0 : i64, scratch_operands = 7 : i64, tpu.core_type = #tpu.core_type<sc_vector_subcore>, window_params = [{transform_indices = #map}, {transform_indices = #map}, {transform_indices = #map}]} {
    %mul3A = arith.constant 2 : i32
    %mul3A_0 = arith.muli %arg1, %mul3A : i32
    %add3A = arith.addi %mul3A_0, %arg0 : i32
    %mul3A_1 = arith.constant 64 : i32
    %mul3A_2 = arith.muli %add3A, %mul3A_1 : i32
    %add3A_3 = arith.constant 0 : i32
    %add3A_4 = arith.addi %mul3A_2, %add3A_3 : i32
    %dma_start3A = arith.constant 0 : i32
    %dma_start3A_5 = arith.constant 0 : i32
    %dma_start3A_6 = arith.constant 0 : i32
    %dma_start3A_7 = tpu.memref_slice %arg8[%dma_start3A, %dma_start3A_5, %dma_start3A_6] : memref<4x8x2048xf32, #tpu.memory_space<vmem>> -> memref<1x8x2048xf32, #tpu.memory_space<vmem>>
    %dma_start3A_8 = tpu.memref_squeeze %dma_start3A_7 : memref<1x8x2048xf32, #tpu.memory_space<vmem>> -> memref<8x2048xf32, #tpu.memory_space<vmem>>
    %dma_start3A_9 = arith.constant 0 : i32
    %dma_start3A_10 = tpu.memref_slice %arg2[%add3A_4, %dma_start3A_9] : memref<2048x2048xf32, #tpu.memory_space<hbm>> -> memref<8x2048xf32, #tpu.memory_space<hbm>>
    %dma_start3A_11 = arith.constant 0 : i32
    %dma_start3A_12 = arith.constant 0 : i32
    %dma_start3A_13 = tpu.memref_slice %arg8[%dma_start3A, %dma_start3A_11, %dma_start3A_12] : memref<4x8x2048xf32, #tpu.memory_space<vmem>> -> memref<1x8x2048xf32, #tpu.memory_space<vmem>>
    %dma_start3A_14 = tpu.memref_squeeze %dma_start3A_13 : memref<1x8x2048xf32, #tpu.memory_space<vmem>> -> memref<8x2048xf32, #tpu.memory_space<vmem>>
    %dma_start3A_15 = arith.constant 0 : i32
    %dma_start3A_16 = tpu.memref_slice %arg2[%add3A_4, %dma_start3A_15] : memref<2048x2048xf32, #tpu.memory_space<hbm>> -> memref<8x2048xf32, #tpu.memory_space<hbm>>
    tpu.enqueue_dma source(%dma_start3A_16 : memref<8x2048xf32, #tpu.memory_space<hbm>>) target(%dma_start3A_14 : memref<8x2048xf32, #tpu.memory_space<vmem>>) target_semaphore(%arg10 : memref<!tpu.dma_semaphore, #tpu.memory_space<semaphore_mem>>)
    %add3A_17 = arith.constant 8 : i32
    %add3A_18 = arith.addi %mul3A_2, %add3A_17 : i32
    %dma_start3A_19 = arith.constant 1 : i32
    %dma_start3A_20 = arith.constant 0 : i32
    %dma_start3A_21 = arith.constant 0 : i32
    %dma_start3A_22 = tpu.memref_slice %arg8[%dma_start3A_19, %dma_start3A_20, %dma_start3A_21] : memref<4x8x2048xf32, #tpu.memory_space<vmem>> -> memref<1x8x2048xf32, #tpu.memory_space<vmem>>
    %dma_start3A_23 = tpu.memref_squeeze %dma_start3A_22 : memref<1x8x2048xf32, #tpu.memory_space<vmem>> -> memref<8x2048xf32, #tpu.memory_space<vmem>>
    %dma_start3A_24 = arith.constant 0 : i32
    %dma_start3A_25 = tpu.memref_slice %arg2[%add3A_18, %dma_start3A_24] : memref<2048x2048xf32, #tpu.memory_space<hbm>> -> memref<8x2048xf32, #tpu.memory_space<hbm>>
    %dma_start3A_26 = arith.constant 0 : i32
    %dma_start3A_27 = arith.constant 0 : i32
    %dma_start3A_28 = tpu.memref_slice %arg8[%dma_start3A_19, %dma_start3A_26, %dma_start3A_27] : memref<4x8x2048xf32, #tpu.memory_space<vmem>> -> memref<1x8x2048xf32, #tpu.memory_space<vmem>>
    %dma_start3A_29 = tpu.memref_squeeze %dma_start3A_28 : memref<1x8x2048xf32, #tpu.memory_space<vmem>> -> memref<8x2048xf32, #tpu.memory_space<vmem>>
    %dma_start3A_30 = arith.constant 0 : i32
    %dma_start3A_31 = tpu.memref_slice %arg2[%add3A_18, %dma_start3A_30] : memref<2048x2048xf32, #tpu.memory_space<hbm>> -> memref<8x2048xf32, #tpu.memory_space<hbm>>
    tpu.enqueue_dma source(%dma_start3A_31 : memref<8x2048xf32, #tpu.memory_space<hbm>>) target(%dma_start3A_29 : memref<8x2048xf32, #tpu.memory_space<vmem>>) target_semaphore(%arg10 : memref<!tpu.dma_semaphore, #tpu.memory_space<semaphore_mem>>)
    %add3A_32 = arith.constant 16 : i32
    %add3A_33 = arith.addi %mul3A_2, %add3A_32 : i32
    %dma_start3A_34 = arith.constant 2 : i32
    %dma_start3A_35 = arith.constant 0 : i32
    %dma_start3A_36 = arith.constant 0 : i32
    %dma_start3A_37 = tpu.memref_slice %arg8[%dma_start3A_34, %dma_start3A_35, %dma_start3A_36] : memref<4x8x2048xf32, #tpu.memory_space<vmem>> -> memref<1x8x2048xf32, #tpu.memory_space<vmem>>
    %dma_start3A_38 = tpu.memref_squeeze %dma_start3A_37 : memref<1x8x2048xf32, #tpu.memory_space<vmem>> -> memref<8x2048xf32, #tpu.memory_space<vmem>>
    %dma_start3A_39 = arith.constant 0 : i32
    %dma_start3A_40 = tpu.memref_slice %arg2[%add3A_33, %dma_start3A_39] : memref<2048x2048xf32, #tpu.memory_space<hbm>> -> memref<8x2048xf32, #tpu.memory_space<hbm>>
    %dma_start3A_41 = arith.constant 0 : i32
    %dma_start3A_42 = arith.constant 0 : i32
    %dma_start3A_43 = tpu.memref_slice %arg8[%dma_start3A_34, %dma_start3A_41, %dma_start3A_42] : memref<4x8x2048xf32, #tpu.memory_space<vmem>> -> memref<1x8x2048xf32, #tpu.memory_space<vmem>>
    %dma_start3A_44 = tpu.memref_squeeze %dma_start3A_43 : memref<1x8x2048xf32, #tpu.memory_space<vmem>> -> memref<8x2048xf32, #tpu.memory_space<vmem>>
    %dma_start3A_45 = arith.constant 0 : i32
    %dma_start3A_46 = tpu.memref_slice %arg2[%add3A_33, %dma_start3A_45] : memref<2048x2048xf32, #tpu.memory_space<hbm>> -> memref<8x2048xf32, #tpu.memory_space<hbm>>
    tpu.enqueue_dma source(%dma_start3A_46 : memref<8x2048xf32, #tpu.memory_space<hbm>>) target(%dma_start3A_44 : memref<8x2048xf32, #tpu.memory_space<vmem>>) target_semaphore(%arg10 : memref<!tpu.dma_semaphore, #tpu.memory_space<semaphore_mem>>)
    "tpu.region"() ({
      %run_scoped3A = tpu.sem_alloc : memref<!tpu.dma_semaphore, #tpu.memory_space<semaphore_mem>>
      tpu.enqueue_dma source(%arg3 : memref<4x2048xf32, #tpu.memory_space<hbm>>) target(%arg5 : memref<4x2048xf32, #tpu.memory_space<vmem>>) target_semaphore(%run_scoped3A : memref<!tpu.dma_semaphore, #tpu.memory_space<semaphore_mem>>)
      tpu.wait_dma2 semaphore(%run_scoped3A : memref<!tpu.dma_semaphore, #tpu.memory_space<semaphore_mem>>) src(%arg3 : memref<4x2048xf32, #tpu.memory_space<hbm>>) dst(%arg5 : memref<4x2048xf32, #tpu.memory_space<vmem>>)
      tpu.yield
    }) : () -> ()
    %parallel_loop3A = arith.constant 0 : i32
    %parallel_loop3A_47 = arith.constant 128 : i32
    %parallel_loop3A_48 = arith.constant 1 : i32
    scf.for %parallel_loop3A_91 = %parallel_loop3A to %parallel_loop3A_47 step %parallel_loop3A_48  : i32 {
      %parallel_loop3A_92 = arith.constant 16 : i32
      %parallel_loop3A_93 = arith.muli %parallel_loop3A_91, %parallel_loop3A_92 : i32
      %parallel_loop3A_94 = arith.constant 0 : i32
      %parallel_loop3A_95 = arith.index_cast %parallel_loop3A_94 : i32 to index
      %parallel_loop3A_96 = arith.index_cast %parallel_loop3A_93 : i32 to index
      %parallel_loop3A_97 = tpu.vector_load %arg5[%parallel_loop3A_95, %parallel_loop3A_96] {strides = array<i32>} : memref<4x2048xf32, #tpu.memory_space<vmem>>, vector<1x16xf32>,
      %parallel_loop3A_98 = vector.shape_cast %parallel_loop3A_97 : vector<1x16xf32> to vector<16xf32>
      %parallel_loop3A_99 = arith.constant 0 : i32
      %parallel_loop3A_100 = vector.broadcast %parallel_loop3A_99 : i32 to vector<16xi32>
      %parallel_loop3A_101 = arith.constant 1 : i32
      %parallel_loop3A_102 = arith.index_cast %parallel_loop3A_101 : i32 to index
      %parallel_loop3A_103 = arith.index_cast %parallel_loop3A_93 : i32 to index
      %parallel_loop3A_104 = tpu.vector_load %arg5[%parallel_loop3A_102, %parallel_loop3A_103] {strides = array<i32>} : memref<4x2048xf32, #tpu.memory_space<vmem>>, vector<1x16xf32>,
      %parallel_loop3A_105 = vector.shape_cast %parallel_loop3A_104 : vector<1x16xf32> to vector<16xf32>
      %parallel_loop3A_106 = arith.cmpf ogt, %parallel_loop3A_105, %parallel_loop3A_98 : vector<16xf32>
      %parallel_loop3A_107 = arith.constant 1 : i32
      %parallel_loop3A_108 = vector.broadcast %parallel_loop3A_107 : i32 to vector<16xi32>
      %parallel_loop3A_109 = arith.select %parallel_loop3A_106, %parallel_loop3A_108, %parallel_loop3A_100 : vector<16xi1>, vector<16xi32>
      %parallel_loop3A_110 = arith.maximumf %parallel_loop3A_98, %parallel_loop3A_105 : vector<16xf32>
      %parallel_loop3A_111 = arith.constant 2 : i32
      %parallel_loop3A_112 = arith.index_cast %parallel_loop3A_111 : i32 to index
      %parallel_loop3A_113 = arith.index_cast %parallel_loop3A_93 : i32 to index
      %parallel_loop3A_114 = tpu.vector_load %arg5[%parallel_loop3A_112, %parallel_loop3A_113] {strides = array<i32>} : memref<4x2048xf32, #tpu.memory_space<vmem>>, vector<1x16xf32>,
      %parallel_loop3A_115 = vector.shape_cast %parallel_loop3A_114 : vector<1x16xf32> to vector<16xf32>
      %parallel_loop3A_116 = arith.cmpf ogt, %parallel_loop3A_115, %parallel_loop3A_110 : vector<16xf32>
      %parallel_loop3A_117 = arith.constant 2 : i32
      %parallel_loop3A_118 = vector.broadcast %parallel_loop3A_117 : i32 to vector<16xi32>
      %parallel_loop3A_119 = arith.select %parallel_loop3A_116, %parallel_loop3A_118, %parallel_loop3A_109 : vector<16xi1>, vector<16xi32>
      %parallel_loop3A_120 = arith.maximumf %parallel_loop3A_110, %parallel_loop3A_115 : vector<16xf32>
      %parallel_loop3A_121 = arith.constant 3 : i32
      %parallel_loop3A_122 = arith.index_cast %parallel_loop3A_121 : i32 to index
      %parallel_loop3A_123 = arith.index_cast %parallel_loop3A_93 : i32 to index
      %parallel_loop3A_124 = tpu.vector_load %arg5[%parallel_loop3A_122, %parallel_loop3A_123] {strides = array<i32>} : memref<4x2048xf32, #tpu.memory_space<vmem>>, vector<1x16xf32>,
      %parallel_loop3A_125 = vector.shape_cast %parallel_loop3A_124 : vector<1x16xf32> to vector<16xf32>
      %parallel_loop3A_126 = arith.cmpf ogt, %parallel_loop3A_125, %parallel_loop3A_120 : vector<16xf32>
      %parallel_loop3A_127 = arith.constant 3 : i32
      %parallel_loop3A_128 = vector.broadcast %parallel_loop3A_127 : i32 to vector<16xi32>
      %parallel_loop3A_129 = arith.select %parallel_loop3A_126, %parallel_loop3A_128, %parallel_loop3A_119 : vector<16xi1>, vector<16xi32>
      %parallel_loop3A_130 = arith.maximumf %parallel_loop3A_120, %parallel_loop3A_125 : vector<16xf32>
      %parallel_loop3A_131 = arith.constant 1 : i32
      %parallel_loop3A_132 = vector.broadcast %parallel_loop3A_131 : i32 to vector<16xi32>
      %parallel_loop3A_133 = arith.shli %parallel_loop3A_132, %parallel_loop3A_129 : vector<16xi32>
      %parallel_loop3A_134 = arith.index_cast %parallel_loop3A_93 : i32 to index
      %parallel_loop3A_135 = tpu.vector_load %arg6[%parallel_loop3A_134] {strides = array<i32>} : memref<2048xi32, #tpu.memory_space<vmem>>, vector<16xi32>,
      %parallel_loop3A_136 = vector.shape_cast %parallel_loop3A_135 : vector<16xi32> to vector<16xi32>
      %parallel_loop3A_137 = vector.shape_cast %parallel_loop3A_133 : vector<16xi32> to vector<16xi32>
      tpu.vector_store %arg6[%parallel_loop3A_134], %parallel_loop3A_137 {strides = array<i32>} : memref<2048xi32, #tpu.memory_space<vmem>>, vector<16xi32>,
      %parallel_loop3A_138 = arith.constant 4 : i32
      %parallel_loop3A_139 = vector.broadcast %parallel_loop3A_138 : i32 to vector<16xi32>
      %parallel_loop3A_140 = arith.muli %parallel_loop3A_129, %parallel_loop3A_139 : vector<16xi32>
      %parallel_loop3A_141 = arith.constant 19026 : i32
      %parallel_loop3A_142 = vector.broadcast %parallel_loop3A_141 : i32 to vector<16xi32>
      %parallel_loop3A_143 = arith.shrsi %parallel_loop3A_142, %parallel_loop3A_140 : vector<16xi32>
      %parallel_loop3A_144 = arith.constant 15 : i32
      %parallel_loop3A_145 = vector.broadcast %parallel_loop3A_144 : i32 to vector<16xi32>
      %parallel_loop3A_146 = arith.andi %parallel_loop3A_143, %parallel_loop3A_145 : vector<16xi32>
      %parallel_loop3A_147 = arith.index_cast %parallel_loop3A_93 : i32 to index
      %parallel_loop3A_148 = tpu.vector_load %arg7[%parallel_loop3A_147] {strides = array<i32>} : memref<2064xi32, #tpu.memory_space<vmem>>, vector<16xi32>,
      %parallel_loop3A_149 = vector.shape_cast %parallel_loop3A_148 : vector<16xi32> to vector<16xi32>
      %parallel_loop3A_150 = vector.shape_cast %parallel_loop3A_146 : vector<16xi32> to vector<16xi32>
      tpu.vector_store %arg7[%parallel_loop3A_147], %parallel_loop3A_150 {strides = array<i32>} : memref<2064xi32, #tpu.memory_space<vmem>>, vector<16xi32>,
    } {sc.loop_unroll_factor = 2 : i64, sc.parallel_access}
    %iota3A = tpu.iota {dimensions = array<i32: 0>} : vector<16xi32>
    %eq3A = arith.constant 0 : i32
    %eq3A_49 = vector.broadcast %eq3A : i32 to vector<16xi32>
    %eq3A_50 = arith.cmpi eq, %iota3A, %eq3A_49 : vector<16xi32>
    %jit3A = arith.constant 0.000000e+00 : f32
    %jit3A_51 = arith.constant 1.000000e+00 : f32
    %broadcast_in_dim3A = vector.broadcast %jit3A : f32 to vector<16xf32>
    %broadcast_in_dim3A_52 = vector.broadcast %jit3A_51 : f32 to vector<16xf32>
    %select_n3A = arith.select %eq3A_50, %broadcast_in_dim3A, %broadcast_in_dim3A_52 : vector<16xi1>, vector<16xf32>
    %scan3A = arith.constant 0 : i32
    %scan3A_53 = arith.constant 0 : i32
    %scan3A_54 = arith.constant 8 : i32
    %scan3A_55 = arith.addi %scan3A_53, %scan3A_54 : i32
    %scan3A_56 = arith.constant 1 : i32
    %scan3A_57 = scf.for %scan3A_91 = %scan3A_53 to %scan3A_55 step %scan3A_56 iter_args(%scan3A_92 = %scan3A) -> (i32)  : i32 {
      %rem3A_93 = arith.constant 4 : i32
      %rem3A_94 = arith.remsi %scan3A_91, %rem3A_93 : i32
      %rem3A_95 = arith.constant 2 : i32
      %rem3A_96 = arith.remsi %scan3A_91, %rem3A_95 : i32
      %add3A_97 = arith.constant 4 : i32
      %add3A_98 = arith.addi %scan3A_91, %add3A_97 : i32
      %sub3A = arith.constant 1 : i32
      %sub3A_99 = arith.subi %add3A_98, %sub3A : i32
      %lt3A = arith.constant 8 : i32
      %lt3A_100 = arith.cmpi slt, %sub3A_99, %lt3A : i32
      %convert_element_type3A = arith.extui %lt3A_100 : i1 to i32
      %cond3A = arith.constant 0 : i32
      %cond3A_101 = arith.cmpi ne, %convert_element_type3A, %cond3A : i32
      scf.if %cond3A_101 {
        %add3A_240 = arith.constant 4 : i32
        %add3A_241 = arith.addi %scan3A_91, %add3A_240 : i32
        %sub3A_242 = arith.constant 1 : i32
        %sub3A_243 = arith.subi %add3A_241, %sub3A_242 : i32
        %add3A_244 = arith.constant 4 : i32
        %add3A_245 = arith.addi %scan3A_91, %add3A_244 : i32
        %sub3A_246 = arith.constant 1 : i32
        %sub3A_247 = arith.subi %add3A_245, %sub3A_246 : i32
        %rem3A_248 = arith.constant 4 : i32
        %rem3A_249 = arith.remsi %sub3A_247, %rem3A_248 : i32
        %mul3A_250 = arith.constant 8 : i32
        %mul3A_251 = arith.muli %sub3A_243, %mul3A_250 : i32
        %add3A_252 = arith.addi %mul3A_2, %mul3A_251 : i32
        %dma_start3A_253 = arith.constant 0 : i32
        %dma_start3A_254 = arith.constant 0 : i32
        %dma_start3A_255 = tpu.memref_slice %arg8[%rem3A_249, %dma_start3A_253, %dma_start3A_254] : memref<4x8x2048xf32, #tpu.memory_space<vmem>> -> memref<1x8x2048xf32, #tpu.memory_space<vmem>>
        %dma_start3A_256 = tpu.memref_squeeze %dma_start3A_255 : memref<1x8x2048xf32, #tpu.memory_space<vmem>> -> memref<8x2048xf32, #tpu.memory_space<vmem>>
        %dma_start3A_257 = arith.constant 0 : i32
        %dma_start3A_258 = tpu.memref_slice %arg2[%add3A_252, %dma_start3A_257] : memref<2048x2048xf32, #tpu.memory_space<hbm>> -> memref<8x2048xf32, #tpu.memory_space<hbm>>
        %dma_start3A_259 = arith.constant 0 : i32
        %dma_start3A_260 = arith.constant 0 : i32
        %dma_start3A_261 = tpu.memref_slice %arg8[%rem3A_249, %dma_start3A_259, %dma_start3A_260] : memref<4x8x2048xf32, #tpu.memory_space<vmem>> -> memref<1x8x2048xf32, #tpu.memory_space<vmem>>
        %dma_start3A_262 = tpu.memref_squeeze %dma_start3A_261 : memref<1x8x2048xf32, #tpu.memory_space<vmem>> -> memref<8x2048xf32, #tpu.memory_space<vmem>>
        %dma_start3A_263 = arith.constant 0 : i32
        %dma_start3A_264 = tpu.memref_slice %arg2[%add3A_252, %dma_start3A_263] : memref<2048x2048xf32, #tpu.memory_space<hbm>> -> memref<8x2048xf32, #tpu.memory_space<hbm>>
        tpu.enqueue_dma source(%dma_start3A_264 : memref<8x2048xf32, #tpu.memory_space<hbm>>) target(%dma_start3A_262 : memref<8x2048xf32, #tpu.memory_space<vmem>>) target_semaphore(%arg10 : memref<!tpu.dma_semaphore, #tpu.memory_space<semaphore_mem>>)
      } else {
      }
      %mul3A_102 = arith.constant 8 : i32
      %mul3A_103 = arith.muli %scan3A_91, %mul3A_102 : i32
      %add3A_104 = arith.addi %mul3A_2, %mul3A_103 : i32
      %dma_wait3A_105 = arith.constant 0 : i32
      %dma_wait3A_106 = arith.constant 0 : i32
      %dma_wait3A_107 = tpu.memref_slice %arg8[%rem3A_94, %dma_wait3A_105, %dma_wait3A_106] : memref<4x8x2048xf32, #tpu.memory_space<vmem>> -> memref<1x8x2048xf32, #tpu.memory_space<vmem>>
      %dma_wait3A_108 = tpu.memref_squeeze %dma_wait3A_107 : memref<1x8x2048xf32, #tpu.memory_space<vmem>> -> memref<8x2048xf32, #tpu.memory_space<vmem>>
      %dma_wait3A_109 = arith.constant 0 : i32
      %dma_wait3A_110 = tpu.memref_slice %arg2[%add3A_104, %dma_wait3A_109] : memref<2048x2048xf32, #tpu.memory_space<hbm>> -> memref<8x2048xf32, #tpu.memory_space<hbm>>
      %dma_wait3A_111 = arith.constant 0 : i32
      %dma_wait3A_112 = arith.constant 0 : i32
      %dma_wait3A_113 = tpu.memref_slice %arg8[%rem3A_94, %dma_wait3A_111, %dma_wait3A_112] : memref<4x8x2048xf32, #tpu.memory_space<vmem>> -> memref<1x8x2048xf32, #tpu.memory_space<vmem>>
      %dma_wait3A_114 = tpu.memref_squeeze %dma_wait3A_113 : memref<1x8x2048xf32, #tpu.memory_space<vmem>> -> memref<8x2048xf32, #tpu.memory_space<vmem>>
      %dma_wait3A_115 = arith.constant 0 : i32
      %dma_wait3A_116 = tpu.memref_slice %arg2[%add3A_104, %dma_wait3A_115] : memref<2048x2048xf32, #tpu.memory_space<hbm>> -> memref<8x2048xf32, #tpu.memory_space<hbm>>
      tpu.wait_dma2 semaphore(%arg10 : memref<!tpu.dma_semaphore, #tpu.memory_space<semaphore_mem>>) src(%dma_wait3A_116 : memref<8x2048xf32, #tpu.memory_space<hbm>>) dst(%dma_wait3A_114 : memref<8x2048xf32, #tpu.memory_space<vmem>>)
      %ge3A = arith.constant 2 : i32
      %ge3A_117 = arith.cmpi sge, %scan3A_91, %ge3A : i32
      %convert_element_type3A_118 = arith.extui %ge3A_117 : i1 to i32
      %cond3A_119 = arith.constant 0 : i32
      %cond3A_120 = arith.cmpi ne, %convert_element_type3A_118, %cond3A_119 : i32
      scf.if %cond3A_120 {
        %sub3A_240 = arith.constant 2 : i32
        %sub3A_241 = arith.subi %scan3A_91, %sub3A_240 : i32
        %mul3A_242 = arith.constant 8 : i32
        %mul3A_243 = arith.muli %sub3A_241, %mul3A_242 : i32
        %add3A_244 = arith.addi %mul3A_2, %mul3A_243 : i32
        %dma_wait3A_245 = arith.constant 0 : i32
        %dma_wait3A_246 = arith.constant 0 : i32
        %dma_wait3A_247 = tpu.memref_slice %arg9[%rem3A_96, %dma_wait3A_245, %dma_wait3A_246] : memref<2x8x2048xf32, #tpu.memory_space<vmem>> -> memref<1x8x2048xf32, #tpu.memory_space<vmem>>
        %dma_wait3A_248 = tpu.memref_squeeze %dma_wait3A_247 : memref<1x8x2048xf32, #tpu.memory_space<vmem>> -> memref<8x2048xf32, #tpu.memory_space<vmem>>
        %dma_wait3A_249 = arith.constant 0 : i32
        %dma_wait3A_250 = tpu.memref_slice %arg4[%add3A_244, %dma_wait3A_249] : memref<2048x2048xf32, #tpu.memory_space<hbm>> -> memref<8x2048xf32, #tpu.memory_space<hbm>>
        %dma_wait3A_251 = arith.constant 0 : i32
        %dma_wait3A_252 = tpu.memref_slice %arg4[%add3A_244, %dma_wait3A_251] : memref<2048x2048xf32, #tpu.memory_space<hbm>> -> memref<8x2048xf32, #tpu.memory_space<hbm>>
        %dma_wait3A_253 = arith.constant 0 : i32
        %dma_wait3A_254 = arith.constant 0 : i32
        %dma_wait3A_255 = tpu.memref_slice %arg9[%rem3A_96, %dma_wait3A_253, %dma_wait3A_254] : memref<2x8x2048xf32, #tpu.memory_space<vmem>> -> memref<1x8x2048xf32, #tpu.memory_space<vmem>>
        %dma_wait3A_256 = tpu.memref_squeeze %dma_wait3A_255 : memref<1x8x2048xf32, #tpu.memory_space<vmem>> -> memref<8x2048xf32, #tpu.memory_space<vmem>>
        tpu.wait_dma2 semaphore(%arg11 : memref<!tpu.dma_semaphore, #tpu.memory_space<semaphore_mem>>) src(%dma_wait3A_256 : memref<8x2048xf32, #tpu.memory_space<vmem>>) dst(%dma_wait3A_252 : memref<8x2048xf32, #tpu.memory_space<hbm>>)
      } else {
      }
      %mul3A_121 = arith.constant 8 : i32
      %mul3A_122 = arith.muli %scan3A_91, %mul3A_121 : i32
      %add3A_123 = arith.addi %mul3A_2, %mul3A_122 : i32
      %get3A = arith.index_cast %add3A_123 : i32 to index
      %get3A_124 = tpu.vector_load %arg7[%get3A] {strides = array<i32>} : memref<2064xi32, #tpu.memory_space<vmem>>, vector<16xi32>,
      %get3A_125 = vector.shape_cast %get3A_124 : vector<16xi32> to vector<16xi32>
      %broadcast_in_dim3A_126 = arith.constant 0 : i32
      %broadcast_in_dim3A_127 = vector.broadcast %broadcast_in_dim3A_126 : i32 to vector<16xi32>
      %lt3A_128 = arith.constant 0 : i32
      %lt3A_129 = vector.broadcast %lt3A_128 : i32 to vector<16xi32>
      %lt3A_130 = arith.cmpi slt, %broadcast_in_dim3A_127, %lt3A_129 : vector<16xi32>
      %add3A_131 = arith.constant 16 : i32
      %add3A_132 = vector.broadcast %add3A_131 : i32 to vector<16xi32>
      %add3A_133 = arith.addi %broadcast_in_dim3A_127, %add3A_132 : vector<16xi32>
      %select_n3A_134 = arith.select %lt3A_130, %add3A_133, %broadcast_in_dim3A_127 : vector<16xi1>, vector<16xi32>
      %broadcast_in_dim3A_135 = vector.shape_cast %select_n3A_134 : vector<16xi32> to vector<16x1xi32>
      %gather3A = vector.shape_cast %broadcast_in_dim3A_135 : vector<16x1xi32> to vector<16xi32>
      %gather3A_136 = tpu.dynamic_gather %get3A_125[%gather3A] in [0] : vector<16xi32>, vector<16xi32> -> vector<16xi32>
      %broadcast_in_dim3A_137 = arith.constant 1 : i32
      %broadcast_in_dim3A_138 = vector.broadcast %broadcast_in_dim3A_137 : i32 to vector<16xi32>
      %lt3A_139 = arith.constant 0 : i32
      %lt3A_140 = vector.broadcast %lt3A_139 : i32 to vector<16xi32>
      %lt3A_141 = arith.cmpi slt, %broadcast_in_dim3A_138, %lt3A_140 : vector<16xi32>
      %add3A_142 = arith.constant 16 : i32
      %add3A_143 = vector.broadcast %add3A_142 : i32 to vector<16xi32>
      %add3A_144 = arith.addi %broadcast_in_dim3A_138, %add3A_143 : vector<16xi32>
      %select_n3A_145 = arith.select %lt3A_141, %add3A_144, %broadcast_in_dim3A_138 : vector<16xi1>, vector<16xi32>
      %broadcast_in_dim3A_146 = vector.shape_cast %select_n3A_145 : vector<16xi32> to vector<16x1xi32>
      %gather3A_147 = vector.shape_cast %broadcast_in_dim3A_146 : vector<16x1xi32> to vector<16xi32>
      %gather3A_148 = tpu.dynamic_gather %get3A_125[%gather3A_147] in [0] : vector<16xi32>, vector<16xi32> -> vector<16xi32>
      %broadcast_in_dim3A_149 = arith.constant 2 : i32
      %broadcast_in_dim3A_150 = vector.broadcast %broadcast_in_dim3A_149 : i32 to vector<16xi32>
      %lt3A_151 = arith.constant 0 : i32
      %lt3A_152 = vector.broadcast %lt3A_151 : i32 to vector<16xi32>
      %lt3A_153 = arith.cmpi slt, %broadcast_in_dim3A_150, %lt3A_152 : vector<16xi32>
      %add3A_154 = arith.constant 16 : i32
      %add3A_155 = vector.broadcast %add3A_154 : i32 to vector<16xi32>
      %add3A_156 = arith.addi %broadcast_in_dim3A_150, %add3A_155 : vector<16xi32>
      %select_n3A_157 = arith.select %lt3A_153, %add3A_156, %broadcast_in_dim3A_150 : vector<16xi1>, vector<16xi32>
      %broadcast_in_dim3A_158 = vector.shape_cast %select_n3A_157 : vector<16xi32> to vector<16x1xi32>
      %gather3A_159 = vector.shape_cast %broadcast_in_dim3A_158 : vector<16x1xi32> to vector<16xi32>
      %gather3A_160 = tpu.dynamic_gather %get3A_125[%gather3A_159] in [0] : vector<16xi32>, vector<16xi32> -> vector<16xi32>
      %broadcast_in_dim3A_161 = arith.constant 3 : i32
      %broadcast_in_dim3A_162 = vector.broadcast %broadcast_in_dim3A_161 : i32 to vector<16xi32>
      %lt3A_163 = arith.constant 0 : i32
      %lt3A_164 = vector.broadcast %lt3A_163 : i32 to vector<16xi32>
      %lt3A_165 = arith.cmpi slt, %broadcast_in_dim3A_162, %lt3A_164 : vector<16xi32>
      %add3A_166 = arith.constant 16 : i32
      %add3A_167 = vector.broadcast %add3A_166 : i32 to vector<16xi32>
      %add3A_168 = arith.addi %broadcast_in_dim3A_162, %add3A_167 : vector<16xi32>
      %select_n3A_169 = arith.select %lt3A_165, %add3A_168, %broadcast_in_dim3A_162 : vector<16xi1>, vector<16xi32>
      %broadcast_in_dim3A_170 = vector.shape_cast %select_n3A_169 : vector<16xi32> to vector<16x1xi32>
      %gather3A_171 = vector.shape_cast %broadcast_in_dim3A_170 : vector<16x1xi32> to vector<16xi32>
      %gather3A_172 = tpu.dynamic_gather %get3A_125[%gather3A_171] in [0] : vector<16xi32>, vector<16xi32> -> vector<16xi32>
      %broadcast_in_dim3A_173 = arith.constant 4 : i32
      %broadcast_in_dim3A_174 = vector.broadcast %broadcast_in_dim3A_173 : i32 to vector<16xi32>
      %lt3A_175 = arith.constant 0 : i32
      %lt3A_176 = vector.broadcast %lt3A_175 : i32 to vector<16xi32>
      %lt3A_177 = arith.cmpi slt, %broadcast_in_dim3A_174, %lt3A_176 : vector<16xi32>
      %add3A_178 = arith.constant 16 : i32
      %add3A_179 = vector.broadcast %add3A_178 : i32 to vector<16xi32>
      %add3A_180 = arith.addi %broadcast_in_dim3A_174, %add3A_179 : vector<16xi32>
      %select_n3A_181 = arith.select %lt3A_177, %add3A_180, %broadcast_in_dim3A_174 : vector<16xi1>, vector<16xi32>
      %broadcast_in_dim3A_182 = vector.shape_cast %select_n3A_181 : vector<16xi32> to vector<16x1xi32>
      %gather3A_183 = vector.shape_cast %broadcast_in_dim3A_182 : vector<16x1xi32> to vector<16xi32>
      %gather3A_184 = tpu.dynamic_gather %get3A_125[%gather3A_183] in [0] : vector<16xi32>, vector<16xi32> -> vector<16xi32>
      %broadcast_in_dim3A_185 = arith.constant 5 : i32
      %broadcast_in_dim3A_186 = vector.broadcast %broadcast_in_dim3A_185 : i32 to vector<16xi32>
      %lt3A_187 = arith.constant 0 : i32
      %lt3A_188 = vector.broadcast %lt3A_187 : i32 to vector<16xi32>
      %lt3A_189 = arith.cmpi slt, %broadcast_in_dim3A_186, %lt3A_188 : vector<16xi32>
      %add3A_190 = arith.constant 16 : i32
      %add3A_191 = vector.broadcast %add3A_190 : i32 to vector<16xi32>
      %add3A_192 = arith.addi %broadcast_in_dim3A_186, %add3A_191 : vector<16xi32>
      %select_n3A_193 = arith.select %lt3A_189, %add3A_192, %broadcast_in_dim3A_186 : vector<16xi1>, vector<16xi32>
      %broadcast_in_dim3A_194 = vector.shape_cast %select_n3A_193 : vector<16xi32> to vector<16x1xi32>
      %gather3A_195 = vector.shape_cast %broadcast_in_dim3A_194 : vector<16x1xi32> to vector<16xi32>
      %gather3A_196 = tpu.dynamic_gather %get3A_125[%gather3A_195] in [0] : vector<16xi32>, vector<16xi32> -> vector<16xi32>
      %broadcast_in_dim3A_197 = arith.constant 6 : i32
      %broadcast_in_dim3A_198 = vector.broadcast %broadcast_in_dim3A_197 : i32 to vector<16xi32>
      %lt3A_199 = arith.constant 0 : i32
      %lt3A_200 = vector.broadcast %lt3A_199 : i32 to vector<16xi32>
      %lt3A_201 = arith.cmpi slt, %broadcast_in_dim3A_198, %lt3A_200 : vector<16xi32>
      %add3A_202 = arith.constant 16 : i32
      %add3A_203 = vector.broadcast %add3A_202 : i32 to vector<16xi32>
      %add3A_204 = arith.addi %broadcast_in_dim3A_198, %add3A_203 : vector<16xi32>
      %select_n3A_205 = arith.select %lt3A_201, %add3A_204, %broadcast_in_dim3A_198 : vector<16xi1>, vector<16xi32>
      %broadcast_in_dim3A_206 = vector.shape_cast %select_n3A_205 : vector<16xi32> to vector<16x1xi32>
      %gather3A_207 = vector.shape_cast %broadcast_in_dim3A_206 : vector<16x1xi32> to vector<16xi32>
      %gather3A_208 = tpu.dynamic_gather %get3A_125[%gather3A_207] in [0] : vector<16xi32>, vector<16xi32> -> vector<16xi32>
      %broadcast_in_dim3A_209 = arith.constant 7 : i32
      %broadcast_in_dim3A_210 = vector.broadcast %broadcast_in_dim3A_209 : i32 to vector<16xi32>
      %lt3A_211 = arith.constant 0 : i32
      %lt3A_212 = vector.broadcast %lt3A_211 : i32 to vector<16xi32>
      %lt3A_213 = arith.cmpi slt, %broadcast_in_dim3A_210, %lt3A_212 : vector<16xi32>
      %add3A_214 = arith.constant 16 : i32
      %add3A_215 = vector.broadcast %add3A_214 : i32 to vector<16xi32>
      %add3A_216 = arith.addi %broadcast_in_dim3A_210, %add3A_215 : vector<16xi32>
      %select_n3A_217 = arith.select %lt3A_213, %add3A_216, %broadcast_in_dim3A_210 : vector<16xi1>, vector<16xi32>
      %broadcast_in_dim3A_218 = vector.shape_cast %select_n3A_217 : vector<16xi32> to vector<16x1xi32>
      %gather3A_219 = vector.shape_cast %broadcast_in_dim3A_218 : vector<16x1xi32> to vector<16xi32>
      %gather3A_220 = tpu.dynamic_gather %get3A_125[%gather3A_219] in [0] : vector<16xi32>, vector<16xi32> -> vector<16xi32>
      %parallel_loop3A_221 = arith.constant 0 : i32
      %parallel_loop3A_222 = arith.constant 128 : i32
      %parallel_loop3A_223 = arith.constant 1 : i32
      scf.for %parallel_loop3A_240 = %parallel_loop3A_221 to %parallel_loop3A_222 step %parallel_loop3A_223  : i32 {
        %parallel_loop3A_241 = arith.constant 16 : i32
        %parallel_loop3A_242 = arith.muli %parallel_loop3A_240, %parallel_loop3A_241 : i32
        %parallel_loop3A_243 = arith.index_cast %parallel_loop3A_242 : i32 to index
        %parallel_loop3A_244 = tpu.vector_load %arg6[%parallel_loop3A_243] {strides = array<i32>} : memref<2048xi32, #tpu.memory_space<vmem>>, vector<16xi32>,
        %parallel_loop3A_245 = vector.shape_cast %parallel_loop3A_244 : vector<16xi32> to vector<16xi32>
        %parallel_loop3A_246 = arith.andi %parallel_loop3A_245, %gather3A_136 : vector<16xi32>
        %parallel_loop3A_247 = arith.constant 0 : i32
        %parallel_loop3A_248 = vector.broadcast %parallel_loop3A_247 : i32 to vector<16xi32>
        %parallel_loop3A_249 = arith.cmpi slt, %parallel_loop3A_246, %parallel_loop3A_248 : vector<16xi32>
        %parallel_loop3A_250 = arith.constant 16 : i32
        %parallel_loop3A_251 = vector.broadcast %parallel_loop3A_250 : i32 to vector<16xi32>
        %parallel_loop3A_252 = arith.addi %parallel_loop3A_246, %parallel_loop3A_251 : vector<16xi32>
        %parallel_loop3A_253 = arith.select %parallel_loop3A_249, %parallel_loop3A_252, %parallel_loop3A_246 : vector<16xi1>, vector<16xi32>
        %parallel_loop3A_254 = vector.shape_cast %parallel_loop3A_253 : vector<16xi32> to vector<16x1xi32>
        %parallel_loop3A_255 = vector.shape_cast %parallel_loop3A_254 : vector<16x1xi32> to vector<16xi32>
        %parallel_loop3A_256 = tpu.dynamic_gather %select_n3A[%parallel_loop3A_255] in [0] : vector<16xf32>, vector<16xi32> -> vector<16xf32>
        %parallel_loop3A_257 = arith.constant 0 : i32
        %parallel_loop3A_258 = arith.index_cast %rem3A_94 : i32 to index
        %parallel_loop3A_259 = arith.index_cast %parallel_loop3A_257 : i32 to index
        %parallel_loop3A_260 = arith.index_cast %parallel_loop3A_242 : i32 to index
        %parallel_loop3A_261 = tpu.vector_load %arg8[%parallel_loop3A_258, %parallel_loop3A_259, %parallel_loop3A_260] {strides = array<i32>} : memref<4x8x2048xf32, #tpu.memory_space<vmem>>, vector<1x1x16xf32>,
        %parallel_loop3A_262 = vector.shape_cast %parallel_loop3A_261 : vector<1x1x16xf32> to vector<16xf32>
        %parallel_loop3A_263 = arith.mulf %parallel_loop3A_262, %parallel_loop3A_256 : vector<16xf32>
        %parallel_loop3A_264 = arith.constant 0 : i32
        %parallel_loop3A_265 = arith.index_cast %rem3A_96 : i32 to index
        %parallel_loop3A_266 = arith.index_cast %parallel_loop3A_264 : i32 to index
        %parallel_loop3A_267 = arith.index_cast %parallel_loop3A_242 : i32 to index
        %parallel_loop3A_268 = tpu.vector_load %arg9[%parallel_loop3A_265, %parallel_loop3A_266, %parallel_loop3A_267] {strides = array<i32>} : memref<2x8x2048xf32, #tpu.memory_space<vmem>>, vector<1x1x16xf32>,
        %parallel_loop3A_269 = vector.shape_cast %parallel_loop3A_268 : vector<1x1x16xf32> to vector<16xf32>
        %parallel_loop3A_270 = vector.shape_cast %parallel_loop3A_263 : vector<16xf32> to vector<1x1x16xf32>
        tpu.vector_store %arg9[%parallel_loop3A_265, %parallel_loop3A_266, %parallel_loop3A_267], %parallel_loop3A_270 {strides = array<i32>} : memref<2x8x2048xf32, #tpu.memory_space<vmem>>, vector<1x1x16xf32>,
        %parallel_loop3A_271 = arith.andi %parallel_loop3A_245, %gather3A_148 : vector<16xi32>
        %parallel_loop3A_272 = arith.constant 0 : i32
        %parallel_loop3A_273 = vector.broadcast %parallel_loop3A_272 : i32 to vector<16xi32>
        %parallel_loop3A_274 = arith.cmpi slt, %parallel_loop3A_271, %parallel_loop3A_273 : vector<16xi32>
        %parallel_loop3A_275 = arith.constant 16 : i32
        %parallel_loop3A_276 = vector.broadcast %parallel_loop3A_275 : i32 to vector<16xi32>
        %parallel_loop3A_277 = arith.addi %parallel_loop3A_271, %parallel_loop3A_276 : vector<16xi32>
        %parallel_loop3A_278 = arith.select %parallel_loop3A_274, %parallel_loop3A_277, %parallel_loop3A_271 : vector<16xi1>, vector<16xi32>
        %parallel_loop3A_279 = vector.shape_cast %parallel_loop3A_278 : vector<16xi32> to vector<16x1xi32>
        %parallel_loop3A_280 = vector.shape_cast %parallel_loop3A_279 : vector<16x1xi32> to vector<16xi32>
        %parallel_loop3A_281 = tpu.dynamic_gather %select_n3A[%parallel_loop3A_280] in [0] : vector<16xf32>, vector<16xi32> -> vector<16xf32>
        %parallel_loop3A_282 = arith.constant 1 : i32
        %parallel_loop3A_283 = arith.index_cast %rem3A_94 : i32 to index
        %parallel_loop3A_284 = arith.index_cast %parallel_loop3A_282 : i32 to index
        %parallel_loop3A_285 = arith.index_cast %parallel_loop3A_242 : i32 to index
        %parallel_loop3A_286 = tpu.vector_load %arg8[%parallel_loop3A_283, %parallel_loop3A_284, %parallel_loop3A_285] {strides = array<i32>} : memref<4x8x2048xf32, #tpu.memory_space<vmem>>, vector<1x1x16xf32>,
        %parallel_loop3A_287 = vector.shape_cast %parallel_loop3A_286 : vector<1x1x16xf32> to vector<16xf32>
        %parallel_loop3A_288 = arith.mulf %parallel_loop3A_287, %parallel_loop3A_281 : vector<16xf32>
        %parallel_loop3A_289 = arith.constant 1 : i32
        %parallel_loop3A_290 = arith.index_cast %rem3A_96 : i32 to index
        %parallel_loop3A_291 = arith.index_cast %parallel_loop3A_289 : i32 to index
        %parallel_loop3A_292 = arith.index_cast %parallel_loop3A_242 : i32 to index
        %parallel_loop3A_293 = tpu.vector_load %arg9[%parallel_loop3A_290, %parallel_loop3A_291, %parallel_loop3A_292] {strides = array<i32>} : memref<2x8x2048xf32, #tpu.memory_space<vmem>>, vector<1x1x16xf32>,
        %parallel_loop3A_294 = vector.shape_cast %parallel_loop3A_293 : vector<1x1x16xf32> to vector<16xf32>
        %parallel_loop3A_295 = vector.shape_cast %parallel_loop3A_288 : vector<16xf32> to vector<1x1x16xf32>
        tpu.vector_store %arg9[%parallel_loop3A_290, %parallel_loop3A_291, %parallel_loop3A_292], %parallel_loop3A_295 {strides = array<i32>} : memref<2x8x2048xf32, #tpu.memory_space<vmem>>, vector<1x1x16xf32>,
        %parallel_loop3A_296 = arith.andi %parallel_loop3A_245, %gather3A_160 : vector<16xi32>
        %parallel_loop3A_297 = arith.constant 0 : i32
        %parallel_loop3A_298 = vector.broadcast %parallel_loop3A_297 : i32 to vector<16xi32>
        %parallel_loop3A_299 = arith.cmpi slt, %parallel_loop3A_296, %parallel_loop3A_298 : vector<16xi32>
        %parallel_loop3A_300 = arith.constant 16 : i32
        %parallel_loop3A_301 = vector.broadcast %parallel_loop3A_300 : i32 to vector<16xi32>
        %parallel_loop3A_302 = arith.addi %parallel_loop3A_296, %parallel_loop3A_301 : vector<16xi32>
        %parallel_loop3A_303 = arith.select %parallel_loop3A_299, %parallel_loop3A_302, %parallel_loop3A_296 : vector<16xi1>, vector<16xi32>
        %parallel_loop3A_304 = vector.shape_cast %parallel_loop3A_303 : vector<16xi32> to vector<16x1xi32>
        %parallel_loop3A_305 = vector.shape_cast %parallel_loop3A_304 : vector<16x1xi32> to vector<16xi32>
        %parallel_loop3A_306 = tpu.dynamic_gather %select_n3A[%parallel_loop3A_305] in [0] : vector<16xf32>, vector<16xi32> -> vector<16xf32>
        %parallel_loop3A_307 = arith.constant 2 : i32
        %parallel_loop3A_308 = arith.index_cast %rem3A_94 : i32 to index
        %parallel_loop3A_309 = arith.index_cast %parallel_loop3A_307 : i32 to index
        %parallel_loop3A_310 = arith.index_cast %parallel_loop3A_242 : i32 to index
        %parallel_loop3A_311 = tpu.vector_load %arg8[%parallel_loop3A_308, %parallel_loop3A_309, %parallel_loop3A_310] {strides = array<i32>} : memref<4x8x2048xf32, #tpu.memory_space<vmem>>, vector<1x1x16xf32>,
        %parallel_loop3A_312 = vector.shape_cast %parallel_loop3A_311 : vector<1x1x16xf32> to vector<16xf32>
        %parallel_loop3A_313 = arith.mulf %parallel_loop3A_312, %parallel_loop3A_306 : vector<16xf32>
        %parallel_loop3A_314 = arith.constant 2 : i32
        %parallel_loop3A_315 = arith.index_cast %rem3A_96 : i32 to index
        %parallel_loop3A_316 = arith.index_cast %parallel_loop3A_314 : i32 to index
        %parallel_loop3A_317 = arith.index_cast %parallel_loop3A_242 : i32 to index
        %parallel_loop3A_318 = tpu.vector_load %arg9[%parallel_loop3A_315, %parallel_loop3A_316, %parallel_loop3A_317] {strides = array<i32>} : memref<2x8x2048xf32, #tpu.memory_space<vmem>>, vector<1x1x16xf32>,
        %parallel_loop3A_319 = vector.shape_cast %parallel_loop3A_318 : vector<1x1x16xf32> to vector<16xf32>
        %parallel_loop3A_320 = vector.shape_cast %parallel_loop3A_313 : vector<16xf32> to vector<1x1x16xf32>
        tpu.vector_store %arg9[%parallel_loop3A_315, %parallel_loop3A_316, %parallel_loop3A_317], %parallel_loop3A_320 {strides = array<i32>} : memref<2x8x2048xf32, #tpu.memory_space<vmem>>, vector<1x1x16xf32>,
        %parallel_loop3A_321 = arith.andi %parallel_loop3A_245, %gather3A_172 : vector<16xi32>
        %parallel_loop3A_322 = arith.constant 0 : i32
        %parallel_loop3A_323 = vector.broadcast %parallel_loop3A_322 : i32 to vector<16xi32>
        %parallel_loop3A_324 = arith.cmpi slt, %parallel_loop3A_321, %parallel_loop3A_323 : vector<16xi32>
        %parallel_loop3A_325 = arith.constant 16 : i32
        %parallel_loop3A_326 = vector.broadcast %parallel_loop3A_325 : i32 to vector<16xi32>
        %parallel_loop3A_327 = arith.addi %parallel_loop3A_321, %parallel_loop3A_326 : vector<16xi32>
        %parallel_loop3A_328 = arith.select %parallel_loop3A_324, %parallel_loop3A_327, %parallel_loop3A_321 : vector<16xi1>, vector<16xi32>
        %parallel_loop3A_329 = vector.shape_cast %parallel_loop3A_328 : vector<16xi32> to vector<16x1xi32>
        %parallel_loop3A_330 = vector.shape_cast %parallel_loop3A_329 : vector<16x1xi32> to vector<16xi32>
        %parallel_loop3A_331 = tpu.dynamic_gather %select_n3A[%parallel_loop3A_330] in [0] : vector<16xf32>, vector<16xi32> -> vector<16xf32>
        %parallel_loop3A_332 = arith.constant 3 : i32
        %parallel_loop3A_333 = arith.index_cast %rem3A_94 : i32 to index
        %parallel_loop3A_334 = arith.index_cast %parallel_loop3A_332 : i32 to index
        %parallel_loop3A_335 = arith.index_cast %parallel_loop3A_242 : i32 to index
        %parallel_loop3A_336 = tpu.vector_load %arg8[%parallel_loop3A_333, %parallel_loop3A_334, %parallel_loop3A_335] {strides = array<i32>} : memref<4x8x2048xf32, #tpu.memory_space<vmem>>, vector<1x1x16xf32>,
        %parallel_loop3A_337 = vector.shape_cast %parallel_loop3A_336 : vector<1x1x16xf32> to vector<16xf32>
        %parallel_loop3A_338 = arith.mulf %parallel_loop3A_337, %parallel_loop3A_331 : vector<16xf32>
        %parallel_loop3A_339 = arith.constant 3 : i32
        %parallel_loop3A_340 = arith.index_cast %rem3A_96 : i32 to index
        %parallel_loop3A_341 = arith.index_cast %parallel_loop3A_339 : i32 to index
        %parallel_loop3A_342 = arith.index_cast %parallel_loop3A_242 : i32 to index
        %parallel_loop3A_343 = tpu.vector_load %arg9[%parallel_loop3A_340, %parallel_loop3A_341, %parallel_loop3A_342] {strides = array<i32>} : memref<2x8x2048xf32, #tpu.memory_space<vmem>>, vector<1x1x16xf32>,
        %parallel_loop3A_344 = vector.shape_cast %parallel_loop3A_343 : vector<1x1x16xf32> to vector<16xf32>
        %parallel_loop3A_345 = vector.shape_cast %parallel_loop3A_338 : vector<16xf32> to vector<1x1x16xf32>
        tpu.vector_store %arg9[%parallel_loop3A_340, %parallel_loop3A_341, %parallel_loop3A_342], %parallel_loop3A_345 {strides = array<i32>} : memref<2x8x2048xf32, #tpu.memory_space<vmem>>, vector<1x1x16xf32>,
        %parallel_loop3A_346 = arith.andi %parallel_loop3A_245, %gather3A_184 : vector<16xi32>
        %parallel_loop3A_347 = arith.constant 0 : i32
        %parallel_loop3A_348 = vector.broadcast %parallel_loop3A_347 : i32 to vector<16xi32>
        %parallel_loop3A_349 = arith.cmpi slt, %parallel_loop3A_346, %parallel_loop3A_348 : vector<16xi32>
        %parallel_loop3A_350 = arith.constant 16 : i32
        %parallel_loop3A_351 = vector.broadcast %parallel_loop3A_350 : i32 to vector<16xi32>
        %parallel_loop3A_352 = arith.addi %parallel_loop3A_346, %parallel_loop3A_351 : vector<16xi32>
        %parallel_loop3A_353 = arith.select %parallel_loop3A_349, %parallel_loop3A_352, %parallel_loop3A_346 : vector<16xi1>, vector<16xi32>
        %parallel_loop3A_354 = vector.shape_cast %parallel_loop3A_353 : vector<16xi32> to vector<16x1xi32>
        %parallel_loop3A_355 = vector.shape_cast %parallel_loop3A_354 : vector<16x1xi32> to vector<16xi32>
        %parallel_loop3A_356 = tpu.dynamic_gather %select_n3A[%parallel_loop3A_355] in [0] : vector<16xf32>, vector<16xi32> -> vector<16xf32>
        %parallel_loop3A_357 = arith.constant 4 : i32
        %parallel_loop3A_358 = arith.index_cast %rem3A_94 : i32 to index
        %parallel_loop3A_359 = arith.index_cast %parallel_loop3A_357 : i32 to index
        %parallel_loop3A_360 = arith.index_cast %parallel_loop3A_242 : i32 to index
        %parallel_loop3A_361 = tpu.vector_load %arg8[%parallel_loop3A_358, %parallel_loop3A_359, %parallel_loop3A_360] {strides = array<i32>} : memref<4x8x2048xf32, #tpu.memory_space<vmem>>, vector<1x1x16xf32>,
        %parallel_loop3A_362 = vector.shape_cast %parallel_loop3A_361 : vector<1x1x16xf32> to vector<16xf32>
        %parallel_loop3A_363 = arith.mulf %parallel_loop3A_362, %parallel_loop3A_356 : vector<16xf32>
        %parallel_loop3A_364 = arith.constant 4 : i32
        %parallel_loop3A_365 = arith.index_cast %rem3A_96 : i32 to index
        %parallel_loop3A_366 = arith.index_cast %parallel_loop3A_364 : i32 to index
        %parallel_loop3A_367 = arith.index_cast %parallel_loop3A_242 : i32 to index
        %parallel_loop3A_368 = tpu.vector_load %arg9[%parallel_loop3A_365, %parallel_loop3A_366, %parallel_loop3A_367] {strides = array<i32>} : memref<2x8x2048xf32, #tpu.memory_space<vmem>>, vector<1x1x16xf32>,
        %parallel_loop3A_369 = vector.shape_cast %parallel_loop3A_368 : vector<1x1x16xf32> to vector<16xf32>
        %parallel_loop3A_370 = vector.shape_cast %parallel_loop3A_363 : vector<16xf32> to vector<1x1x16xf32>
        tpu.vector_store %arg9[%parallel_loop3A_365, %parallel_loop3A_366, %parallel_loop3A_367], %parallel_loop3A_370 {strides = array<i32>} : memref<2x8x2048xf32, #tpu.memory_space<vmem>>, vector<1x1x16xf32>,
        %parallel_loop3A_371 = arith.andi %parallel_loop3A_245, %gather3A_196 : vector<16xi32>
        %parallel_loop3A_372 = arith.constant 0 : i32
        %parallel_loop3A_373 = vector.broadcast %parallel_loop3A_372 : i32 to vector<16xi32>
        %parallel_loop3A_374 = arith.cmpi slt, %parallel_loop3A_371, %parallel_loop3A_373 : vector<16xi32>
        %parallel_loop3A_375 = arith.constant 16 : i32
        %parallel_loop3A_376 = vector.broadcast %parallel_loop3A_375 : i32 to vector<16xi32>
        %parallel_loop3A_377 = arith.addi %parallel_loop3A_371, %parallel_loop3A_376 : vector<16xi32>
        %parallel_loop3A_378 = arith.select %parallel_loop3A_374, %parallel_loop3A_377, %parallel_loop3A_371 : vector<16xi1>, vector<16xi32>
        %parallel_loop3A_379 = vector.shape_cast %parallel_loop3A_378 : vector<16xi32> to vector<16x1xi32>
        %parallel_loop3A_380 = vector.shape_cast %parallel_loop3A_379 : vector<16x1xi32> to vector<16xi32>
        %parallel_loop3A_381 = tpu.dynamic_gather %select_n3A[%parallel_loop3A_380] in [0] : vector<16xf32>, vector<16xi32> -> vector<16xf32>
        %parallel_loop3A_382 = arith.constant 5 : i32
        %parallel_loop3A_383 = arith.index_cast %rem3A_94 : i32 to index
        %parallel_loop3A_384 = arith.index_cast %parallel_loop3A_382 : i32 to index
        %parallel_loop3A_385 = arith.index_cast %parallel_loop3A_242 : i32 to index
        %parallel_loop3A_386 = tpu.vector_load %arg8[%parallel_loop3A_383, %parallel_loop3A_384, %parallel_loop3A_385] {strides = array<i32>} : memref<4x8x2048xf32, #tpu.memory_space<vmem>>, vector<1x1x16xf32>,
        %parallel_loop3A_387 = vector.shape_cast %parallel_loop3A_386 : vector<1x1x16xf32> to vector<16xf32>
        %parallel_loop3A_388 = arith.mulf %parallel_loop3A_387, %parallel_loop3A_381 : vector<16xf32>
        %parallel_loop3A_389 = arith.constant 5 : i32
        %parallel_loop3A_390 = arith.index_cast %rem3A_96 : i32 to index
        %parallel_loop3A_391 = arith.index_cast %parallel_loop3A_389 : i32 to index
        %parallel_loop3A_392 = arith.index_cast %parallel_loop3A_242 : i32 to index
        %parallel_loop3A_393 = tpu.vector_load %arg9[%parallel_loop3A_390, %parallel_loop3A_391, %parallel_loop3A_392] {strides = array<i32>} : memref<2x8x2048xf32, #tpu.memory_space<vmem>>, vector<1x1x16xf32>,
        %parallel_loop3A_394 = vector.shape_cast %parallel_loop3A_393 : vector<1x1x16xf32> to vector<16xf32>
        %parallel_loop3A_395 = vector.shape_cast %parallel_loop3A_388 : vector<16xf32> to vector<1x1x16xf32>
        tpu.vector_store %arg9[%parallel_loop3A_390, %parallel_loop3A_391, %parallel_loop3A_392], %parallel_loop3A_395 {strides = array<i32>} : memref<2x8x2048xf32, #tpu.memory_space<vmem>>, vector<1x1x16xf32>,
        %parallel_loop3A_396 = arith.andi %parallel_loop3A_245, %gather3A_208 : vector<16xi32>
        %parallel_loop3A_397 = arith.constant 0 : i32
        %parallel_loop3A_398 = vector.broadcast %parallel_loop3A_397 : i32 to vector<16xi32>
        %parallel_loop3A_399 = arith.cmpi slt, %parallel_loop3A_396, %parallel_loop3A_398 : vector<16xi32>
        %parallel_loop3A_400 = arith.constant 16 : i32
        %parallel_loop3A_401 = vector.broadcast %parallel_loop3A_400 : i32 to vector<16xi32>
        %parallel_loop3A_402 = arith.addi %parallel_loop3A_396, %parallel_loop3A_401 : vector<16xi32>
        %parallel_loop3A_403 = arith.select %parallel_loop3A_399, %parallel_loop3A_402, %parallel_loop3A_396 : vector<16xi1>, vector<16xi32>
        %parallel_loop3A_404 = vector.shape_cast %parallel_loop3A_403 : vector<16xi32> to vector<16x1xi32>
        %parallel_loop3A_405 = vector.shape_cast %parallel_loop3A_404 : vector<16x1xi32> to vector<16xi32>
        %parallel_loop3A_406 = tpu.dynamic_gather %select_n3A[%parallel_loop3A_405] in [0] : vector<16xf32>, vector<16xi32> -> vector<16xf32>
        %parallel_loop3A_407 = arith.constant 6 : i32
        %parallel_loop3A_408 = arith.index_cast %rem3A_94 : i32 to index
        %parallel_loop3A_409 = arith.index_cast %parallel_loop3A_407 : i32 to index
        %parallel_loop3A_410 = arith.index_cast %parallel_loop3A_242 : i32 to index
        %parallel_loop3A_411 = tpu.vector_load %arg8[%parallel_loop3A_408, %parallel_loop3A_409, %parallel_loop3A_410] {strides = array<i32>} : memref<4x8x2048xf32, #tpu.memory_space<vmem>>, vector<1x1x16xf32>,
        %parallel_loop3A_412 = vector.shape_cast %parallel_loop3A_411 : vector<1x1x16xf32> to vector<16xf32>
        %parallel_loop3A_413 = arith.mulf %parallel_loop3A_412, %parallel_loop3A_406 : vector<16xf32>
        %parallel_loop3A_414 = arith.constant 6 : i32
        %parallel_loop3A_415 = arith.index_cast %rem3A_96 : i32 to index
        %parallel_loop3A_416 = arith.index_cast %parallel_loop3A_414 : i32 to index
        %parallel_loop3A_417 = arith.index_cast %parallel_loop3A_242 : i32 to index
        %parallel_loop3A_418 = tpu.vector_load %arg9[%parallel_loop3A_415, %parallel_loop3A_416, %parallel_loop3A_417] {strides = array<i32>} : memref<2x8x2048xf32, #tpu.memory_space<vmem>>, vector<1x1x16xf32>,
        %parallel_loop3A_419 = vector.shape_cast %parallel_loop3A_418 : vector<1x1x16xf32> to vector<16xf32>
        %parallel_loop3A_420 = vector.shape_cast %parallel_loop3A_413 : vector<16xf32> to vector<1x1x16xf32>
        tpu.vector_store %arg9[%parallel_loop3A_415, %parallel_loop3A_416, %parallel_loop3A_417], %parallel_loop3A_420 {strides = array<i32>} : memref<2x8x2048xf32, #tpu.memory_space<vmem>>, vector<1x1x16xf32>,
        %parallel_loop3A_421 = arith.andi %parallel_loop3A_245, %gather3A_220 : vector<16xi32>
        %parallel_loop3A_422 = arith.constant 0 : i32
        %parallel_loop3A_423 = vector.broadcast %parallel_loop3A_422 : i32 to vector<16xi32>
        %parallel_loop3A_424 = arith.cmpi slt, %parallel_loop3A_421, %parallel_loop3A_423 : vector<16xi32>
        %parallel_loop3A_425 = arith.constant 16 : i32
        %parallel_loop3A_426 = vector.broadcast %parallel_loop3A_425 : i32 to vector<16xi32>
        %parallel_loop3A_427 = arith.addi %parallel_loop3A_421, %parallel_loop3A_426 : vector<16xi32>
        %parallel_loop3A_428 = arith.select %parallel_loop3A_424, %parallel_loop3A_427, %parallel_loop3A_421 : vector<16xi1>, vector<16xi32>
        %parallel_loop3A_429 = vector.shape_cast %parallel_loop3A_428 : vector<16xi32> to vector<16x1xi32>
        %parallel_loop3A_430 = vector.shape_cast %parallel_loop3A_429 : vector<16x1xi32> to vector<16xi32>
        %parallel_loop3A_431 = tpu.dynamic_gather %select_n3A[%parallel_loop3A_430] in [0] : vector<16xf32>, vector<16xi32> -> vector<16xf32>
        %parallel_loop3A_432 = arith.constant 7 : i32
        %parallel_loop3A_433 = arith.index_cast %rem3A_94 : i32 to index
        %parallel_loop3A_434 = arith.index_cast %parallel_loop3A_432 : i32 to index
        %parallel_loop3A_435 = arith.index_cast %parallel_loop3A_242 : i32 to index
        %parallel_loop3A_436 = tpu.vector_load %arg8[%parallel_loop3A_433, %parallel_loop3A_434, %parallel_loop3A_435] {strides = array<i32>} : memref<4x8x2048xf32, #tpu.memory_space<vmem>>, vector<1x1x16xf32>,
        %parallel_loop3A_437 = vector.shape_cast %parallel_loop3A_436 : vector<1x1x16xf32> to vector<16xf32>
        %parallel_loop3A_438 = arith.mulf %parallel_loop3A_437, %parallel_loop3A_431 : vector<16xf32>
        %parallel_loop3A_439 = arith.constant 7 : i32
        %parallel_loop3A_440 = arith.index_cast %rem3A_96 : i32 to index
        %parallel_loop3A_441 = arith.index_cast %parallel_loop3A_439 : i32 to index
        %parallel_loop3A_442 = arith.index_cast %parallel_loop3A_242 : i32 to index
        %parallel_loop3A_443 = tpu.vector_load %arg9[%parallel_loop3A_440, %parallel_loop3A_441, %parallel_loop3A_442] {strides = array<i32>} : memref<2x8x2048xf32, #tpu.memory_space<vmem>>, vector<1x1x16xf32>,
        %parallel_loop3A_444 = vector.shape_cast %parallel_loop3A_443 : vector<1x1x16xf32> to vector<16xf32>
        %parallel_loop3A_445 = vector.shape_cast %parallel_loop3A_438 : vector<16xf32> to vector<1x1x16xf32>
        tpu.vector_store %arg9[%parallel_loop3A_440, %parallel_loop3A_441, %parallel_loop3A_442], %parallel_loop3A_445 {strides = array<i32>} : memref<2x8x2048xf32, #tpu.memory_space<vmem>>, vector<1x1x16xf32>,
      } {sc.loop_unroll_factor = 2 : i64, sc.parallel_access}
      %mul3A_224 = arith.constant 8 : i32
      %mul3A_225 = arith.muli %scan3A_91, %mul3A_224 : i32
      %add3A_226 = arith.addi %mul3A_2, %mul3A_225 : i32
      %dma_start3A_227 = arith.constant 0 : i32
      %dma_start3A_228 = arith.constant 0 : i32
      %dma_start3A_229 = tpu.memref_slice %arg9[%rem3A_96, %dma_start3A_227, %dma_start3A_228] : memref<2x8x2048xf32, #tpu.memory_space<vmem>> -> memref<1x8x2048xf32, #tpu.memory_space<vmem>>
      %dma_start3A_230 = tpu.memref_squeeze %dma_start3A_229 : memref<1x8x2048xf32, #tpu.memory_space<vmem>> -> memref<8x2048xf32, #tpu.memory_space<vmem>>
      %dma_start3A_231 = arith.constant 0 : i32
      %dma_start3A_232 = tpu.memref_slice %arg4[%add3A_226, %dma_start3A_231] : memref<2048x2048xf32, #tpu.memory_space<hbm>> -> memref<8x2048xf32, #tpu.memory_space<hbm>>
      %dma_start3A_233 = arith.constant 0 : i32
      %dma_start3A_234 = tpu.memref_slice %arg4[%add3A_226, %dma_start3A_233] : memref<2048x2048xf32, #tpu.memory_space<hbm>> -> memref<8x2048xf32, #tpu.memory_space<hbm>>
      %dma_start3A_235 = arith.constant 0 : i32
      %dma_start3A_236 = arith.constant 0 : i32
      %dma_start3A_237 = tpu.memref_slice %arg9[%rem3A_96, %dma_start3A_235, %dma_start3A_236] : memref<2x8x2048xf32, #tpu.memory_space<vmem>> -> memref<1x8x2048xf32, #tpu.memory_space<vmem>>
      %dma_start3A_238 = tpu.memref_squeeze %dma_start3A_237 : memref<1x8x2048xf32, #tpu.memory_space<vmem>> -> memref<8x2048xf32, #tpu.memory_space<vmem>>
      tpu.enqueue_dma source(%dma_start3A_238 : memref<8x2048xf32, #tpu.memory_space<vmem>>) target(%dma_start3A_234 : memref<8x2048xf32, #tpu.memory_space<hbm>>) target_semaphore(%arg11 : memref<!tpu.dma_semaphore, #tpu.memory_space<semaphore_mem>>)
      %scan3A_239 = arith.constant 0 : i32
      scf.yield %scan3A_239 : i32
    }
    %scan3A_58 = arith.constant 8 : i32
    %rem3A = arith.constant 6 : i32
    %rem3A_59 = arith.constant 2 : i32
    %rem3A_60 = arith.remsi %rem3A, %rem3A_59 : i32
    %add3A_61 = arith.constant 48 : i32
    %add3A_62 = arith.addi %mul3A_2, %add3A_61 : i32
    %dma_wait3A = arith.constant 0 : i32
    %dma_wait3A_63 = arith.constant 0 : i32
    %dma_wait3A_64 = tpu.memref_slice %arg9[%rem3A_60, %dma_wait3A, %dma_wait3A_63] : memref<2x8x2048xf32, #tpu.memory_space<vmem>> -> memref<1x8x2048xf32, #tpu.memory_space<vmem>>
    %dma_wait3A_65 = tpu.memref_squeeze %dma_wait3A_64 : memref<1x8x2048xf32, #tpu.memory_space<vmem>> -> memref<8x2048xf32, #tpu.memory_space<vmem>>
    %dma_wait3A_66 = arith.constant 0 : i32
    %dma_wait3A_67 = tpu.memref_slice %arg4[%add3A_62, %dma_wait3A_66] : memref<2048x2048xf32, #tpu.memory_space<hbm>> -> memref<8x2048xf32, #tpu.memory_space<hbm>>
    %dma_wait3A_68 = arith.constant 0 : i32
    %dma_wait3A_69 = tpu.memref_slice %arg4[%add3A_62, %dma_wait3A_68] : memref<2048x2048xf32, #tpu.memory_space<hbm>> -> memref<8x2048xf32, #tpu.memory_space<hbm>>
    %dma_wait3A_70 = arith.constant 0 : i32
    %dma_wait3A_71 = arith.constant 0 : i32
    %dma_wait3A_72 = tpu.memref_slice %arg9[%rem3A_60, %dma_wait3A_70, %dma_wait3A_71] : memref<2x8x2048xf32, #tpu.memory_space<vmem>> -> memref<1x8x2048xf32, #tpu.memory_space<vmem>>
    %dma_wait3A_73 = tpu.memref_squeeze %dma_wait3A_72 : memref<1x8x2048xf32, #tpu.memory_space<vmem>> -> memref<8x2048xf32, #tpu.memory_space<vmem>>
    tpu.wait_dma2 semaphore(%arg11 : memref<!tpu.dma_semaphore, #tpu.memory_space<semaphore_mem>>) src(%dma_wait3A_73 : memref<8x2048xf32, #tpu.memory_space<vmem>>) dst(%dma_wait3A_69 : memref<8x2048xf32, #tpu.memory_space<hbm>>)
    %rem3A_74 = arith.constant 7 : i32
    %rem3A_75 = arith.constant 2 : i32
    %rem3A_76 = arith.remsi %rem3A_74, %rem3A_75 : i32
    %add3A_77 = arith.constant 56 : i32
    %add3A_78 = arith.addi %mul3A_2, %add3A_77 : i32
    %dma_wait3A_79 = arith.constant 0 : i32
    %dma_wait3A_80 = arith.constant 0 : i32
    %dma_wait3A_81 = tpu.memref_slice %arg9[%rem3A_76, %dma_wait3A_79, %dma_wait3A_80] : memref<2x8x2048xf32, #tpu.memory_space<vmem>> -> memref<1x8x2048xf32, #tpu.memory_space<vmem>>
    %dma_wait3A_82 = tpu.memref_squeeze %dma_wait3A_81 : memref<1x8x2048xf32, #tpu.memory_space<vmem>> -> memref<8x2048xf32, #tpu.memory_space<vmem>>
    %dma_wait3A_83 = arith.constant 0 : i32
    %dma_wait3A_84 = tpu.memref_slice %arg4[%add3A_78, %dma_wait3A_83] : memref<2048x2048xf32, #tpu.memory_space<hbm>> -> memref<8x2048xf32, #tpu.memory_space<hbm>>
    %dma_wait3A_85 = arith.constant 0 : i32
    %dma_wait3A_86 = tpu.memref_slice %arg4[%add3A_78, %dma_wait3A_85] : memref<2048x2048xf32, #tpu.memory_space<hbm>> -> memref<8x2048xf32, #tpu.memory_space<hbm>>
    %dma_wait3A_87 = arith.constant 0 : i32
    %dma_wait3A_88 = arith.constant 0 : i32
    %dma_wait3A_89 = tpu.memref_slice %arg9[%rem3A_76, %dma_wait3A_87, %dma_wait3A_88] : memref<2x8x2048xf32, #tpu.memory_space<vmem>> -> memref<1x8x2048xf32, #tpu.memory_space<vmem>>
    %dma_wait3A_90 = tpu.memref_squeeze %dma_wait3A_89 : memref<1x8x2048xf32, #tpu.memory_space<vmem>> -> memref<8x2048xf32, #tpu.memory_space<vmem>>
    tpu.wait_dma2 semaphore(%arg11 : memref<!tpu.dma_semaphore, #tpu.memory_space<semaphore_mem>>) src(%dma_wait3A_90 : memref<8x2048xf32, #tpu.memory_space<vmem>>) dst(%dma_wait3A_86 : memref<8x2048xf32, #tpu.memory_space<hbm>>)
    return
  }
}

</mosaic_0001>

<sc_bundles>
// kernel: _canonicalize.3.cloned.1.call-start
scs
__scs_entry_jumppad:
0x0: {  	(pc) =	sbr.rel $0x88, $3  }
0x1: {  	(tag) =	ssettag $0x0;
	lr =	simm.s32 $0x1  }
0x2: {  	[smem:$0x3F9F] =	sst lr;
	_ =	strace $0xD0000000  }
0x3: {  	_ = 	snop  }
0x4: {  	_ = 	snop  }
0x5: {  	_ = 	snop  }
0x6: {  	_ = 	snop  }
0x7: {  	_ = 	snop  }
__scs_overlays_trampoline_lowered:
0x8: {  	[smem:$0x3FAE] =	sst s0  }
0x9: {  	[smem:$0x3FAF] =	sst s1  }
0xa: {  	[smem:$0x3FB0] =	sst s2  }
0xb: {  	[smem:$0x3FB1] =	sst s3  }
0xc: {  	[smem:$0x3FB2] =	sst s4  }
0xd: {  	[smem:$0x3FB3] =	sst s5  }
0xe: {  	[smem:$0x3FB4] =	sst s6  }
0xf: {  	[smem:$0x3FB5] =	sst s7  }
0x10: {  	[smem:$0x3FB6] =	sst s8  }
0x11: {  	[smem:$0x3FB7] =	sst s9;
	s0 =	simm.s32 @!p0 $0x0  }
0x12: {  	s1 =	sld [smem:$0x3F9D];
	s0 =	simm.s32 @p0 $0x1  }
0x13: {  	[smem:$0x3FB8] =	sst s0;
	s0 =	simm.s32 @!p1 $0x0  }
0x14: {  	s2 =	sld [smem:$0x3F9C];
	s0 =	simm.s32 @p1 $0x1  }
0x15: {  	[smem:$0x3FB9] =	sst s0;
	s0 =	simm.s32 @!p2 $0x0  }
0x16: {  	s3 =	sld [smem:$0x3FDB];
	s0 =	simm.s32 @p2 $0x1  }
0x17: {  	s4 =	simm.s32 $0x1BF5;
	[smem:$0x3FBB] =	sst s0  }
0x18: {  	s0 =	sld [smem:$0x3F9E];
	_ =	swait.ge [sflag:s4], $0x0  }
0x19: {  	s7 =	sld [smem:$0x3F9F]  }
0x1a: {  	s8 =	sadd.s32 $0xFFFFE003, lr  }
0x1b: {  	s9 =	sadd.s32 $0xFFFFFEF7, lr;
	s5 =	simm.s32 $0xFFFFFFFF;
	p2 =	slt.u32 s8, $0xFFFFF086  }
0x1c: {  	p1 =	slt.u32 s9, $0xF7A;
	s5 =	simm.s32 @!p2 $0x0  }
0x1d: {  	s5 =	simm.s32 @p1 $0x1;
	p0 =	seq.s32 s7, s2  }
0x1e: {  	s7 =	smul.u32 @!p0 $0xF7A, s2;
	p2 =	seq.s32 @!p0 s5, $0x0  }
0x1f: {  	s9 =	smul.u32 $0xF7A, s1;
	s8 =	simm.s32 @!p0 $0x1BF5;
	p2 =	por !p2, p0  }
0x20: {  	[sflag:s8] =	ssyncset.s32 @!p0 $0xFFFFF086;
	s6 =	sadd.s32 @!p0 s3, s7;
	s7 =	simm.s32 @!p0 $0x108  }
0x21: {  	s3 =	sadd.s32 s3, s9;
	s6 =	sadd.s32 @!p0 $0x88, s6;
	s7 =	simm.s32 @p2 $0x1082  }
0x22: {  	[simem:s7], [sflag:s8] =	dma.local @!p0 [hbm:s6], $0xF7A  }
0x23: {  	s9 =	sor.u32 $0xD0000000, s2;
	s6 =	simm.s32 $0x108;
	_ =	swait.ge @!p0 [sflag:s8], $0x0  }
0x24: {  	s3 =	sadd.s32 $0x88, s3;
	s6 =	simm.s32 @!p1 $0x1082;
	[sflag:s4] =	ssyncset.s32 $0xFFFFF086  }
0x25: {  	[simem:s6], [sflag:s4] =	dma.local [hbm:s3], $0xF7A  }
0x26: {  	[smem:$0x3F9F] =	sst s1;
	(tag) =	ssettag s2;
	_ =	strace s9  }
0x27: {  	s1 =	sld [smem:$0x3FAF]  }
0x28: {  	s2 =	sld [smem:$0x3FB0]  }
0x29: {  	s4 =	sld [smem:$0x3FB2]  }
0x2a: {  	p0 =	seq.s32 s5, $0x0;
	s5 =	sld [smem:$0x3FB3]  }
0x2b: {  	s6 =	sld [smem:$0x3FB4]  }
0x2c: {  	s7 =	sld [smem:$0x3FB5]  }
0x2d: {  	s3 =	simm.s32 $0x108;
	s8 =	sld [smem:$0x3FB6]  }
0x2e: {  	s3 =	simm.s32 @!p0 $0x1082;
	s9 =	sld [smem:$0x3FB7]  }
0x2f: {  	lr =	sadd.s32 s0, s3;
	s0 =	sld [smem:$0x3FAE]  }
0x30: {  	s3 =	sld [smem:$0x3FB1]  }
0x31: {  	[smem:$0x3FBA] =	sst s10  }
0x32: {  	s10 =	sld [smem:$0x3FB8];
	_ =	sdelay $0x3  }
0x33: {  	p0 =	seq.s32 s10, $0x1;
	s10 =	sld [smem:$0x3FBA];
	_ =	sdelay $0x3  }
0x34: {  	[smem:$0x3FBA] =	sst s10  }
0x35: {  	s10 =	sld [smem:$0x3FB9];
	_ =	sdelay $0x3  }
0x36: {  	p1 =	seq.s32 s10, $0x1;
	s10 =	sld [smem:$0x3FBA];
	_ =	sdelay $0x3  }
0x37: {  	[smem:$0x3FBA] =	sst s10  }
0x38: {  	s10 =	sld [smem:$0x3FBB]  }
0x39: {  	_ = 	snop;
	(pc) =	sbr.ind lr, $3  }
0x3a: {  	_ = 	snop  }
0x3b: {  	_ = 	snop  }
0x3c: {  	p2 =	seq.s32 s10, $0x1;
	s10 =	sld [smem:$0x3FBA]  }
0x3d: {  	_ =	shalt  }
0x3e: {  	_ =	shalt  }
0x3f: {  	_ =	shalt  }
0x40: {  	_ =	shalt  }
0x41: {  	_ =	shalt  }
0x42: {  	_ =	shalt  }
0x43: {  	_ =	shalt  }
0x44: {  	_ =	shalt  }
0x45: {  	_ =	shalt  }
0x46: {  	_ =	shalt  }
0x47: {  	_ =	shalt  }
0x48: {  	_ =	shalt  }
0x49: {  	_ =	shalt  }
0x4a: {  	_ =	shalt  }
0x4b: {  	_ =	shalt  }
0x4c: {  	_ =	shalt  }
0x4d: {  	_ =	shalt  }
0x4e: {  	_ =	shalt  }
0x4f: {  	_ =	shalt  }
0x50: {  	_ =	shalt  }
0x51: {  	_ =	shalt  }
0x52: {  	_ =	shalt  }
0x53: {  	_ =	shalt  }
0x54: {  	_ =	shalt  }
0x55: {  	_ =	shalt  }
0x56: {  	_ =	shalt  }
0x57: {  	_ =	shalt  }
0x58: {  	_ =	shalt  }
0x59: {  	_ =	shalt  }
0x5a: {  	_ =	shalt  }
0x5b: {  	_ =	shalt  }
0x5c: {  	_ =	shalt  }
0x5d: {  	_ =	shalt  }
0x5e: {  	_ =	shalt  }
0x5f: {  	_ =	shalt  }
0x60: {  	_ =	shalt  }
0x61: {  	_ =	shalt  }
0x62: {  	_ =	shalt  }
0x63: {  	_ =	shalt  }
0x64: {  	_ =	shalt  }
0x65: {  	_ =	shalt  }
0x66: {  	_ =	shalt  }
0x67: {  	_ =	shalt  }
0x68: {  	_ =	shalt  }
0x69: {  	_ =	shalt  }
0x6a: {  	_ =	shalt  }
0x6b: {  	_ =	shalt  }
0x6c: {  	_ =	shalt  }
0x6d: {  	_ =	shalt  }
0x6e: {  	_ =	shalt  }
0x6f: {  	_ =	shalt  }
0x70: {  	_ =	shalt  }
0x71: {  	_ =	shalt  }
0x72: {  	_ =	shalt  }
0x73: {  	_ =	shalt  }
0x74: {  	_ =	shalt  }
0x75: {  	_ =	shalt  }
0x76: {  	_ =	shalt  }
0x77: {  	_ =	shalt  }
0x78: {  	_ =	shalt  }
0x79: {  	_ =	shalt  }
0x7a: {  	_ =	shalt  }
0x7b: {  	_ =	shalt  }
0x7c: {  	_ =	shalt  }
0x7d: {  	_ =	shalt  }
0x7e: {  	_ =	shalt  }
0x7f: {  	_ =	shalt  }
0x80: {  	_ =	shalt  }
0x81: {  	_ =	shalt  }
0x82: {  	_ =	shalt  }
0x83: {  	_ =	shalt  }
0x84: {  	_ =	shalt  }
0x85: {  	_ =	shalt  }
0x86: {  	_ =	shalt  }
0x87: {  	_ =	shalt  }
.Lfunc_end0:
.L_simem_size_0:
called_computation_lowered:
.L_overlay_start_0:
0x88: {  	s2 =	sld [smem:$0x3FD9]  }
0x89: {  	s3 =	sld [smem:$0x3FFE];
	_ =	sdelay $0x1  }
0x8a: {  	s1 =	srdreg.scid  }
0x8b: {  	s0 =	sand.u32 $0x1, s1  }
0x8c: {  	s18 =	sshll.u32 s0, $0xA;
	s2 =	sadd.s32 s3, s2  }
0x8d: {  	s2 =	sadd.s32 s2, s18  }
0x8e: {  	[smem:$0x3FC6] =	sst s2  }
0x8f: {  	_ = 	snop  }
0x90: {  	s2 =	sld [smem:$0x3FC9]  }
0x91: {  	s19 =	sld [smem:$0x3FC8]  }
0x92: {  	s4 =	sld [smem:$0x3FD0];
	(tm) =	ssettm $0x1  }
0x93: {  	s5 =	sld [smem:$0x3FFB];
	_ =	sdelay $0x3  }
0x94: {  	_ =	strace s5  }
0x95: {  	s5 =	sld [smem:$0x3FFC];
	_ =	sdelay $0x3  }
0x96: {  	_ =	strace s5  }
0x97: {  	s5 =	sld [smem:$0x3FFD];
	_ =	sdelay $0x3  }
0x98: {  	_ =	strace s5  }
0x99: {  	_ =	strace $0x8FFFFFFF  }
0x9a: {  	s20 =	sld [smem:$0x3FDB];
	_ =	sdelay $0x1  }
0x9b: {  	s6 =	simm.s32 $_scs_section_size  }
0x9c: {  	s7 =	simm.s32 $_size__tile_overlayer_lowered;
	s8 =	simm.s32 $_tile_overlayer_lowered  }
0x9d: {  	s23 =	simm.s32 $0x1BFF;
	s22 =	sshll.u32 s8, $0x1;
	s5 =	sadd.s32 s6, s20  }
0x9e: {  	s9 =	simm.s32 $0x0;
	s21 =	sshll.u32 s7, $0x1;
	s7 =	sadd.s32 s22, s5  }
0x9f: {  	[timem:s9], [sflag:s23] =	dma.local [hbm:s7], s21  }
0xa0: {  	_ =	swait.ge [sflag:s23], s21  }
0xa1: {  	s6 =	ssub.s32 $0x0, s21;
	[sflag:s23] =	ssyncset.done $0x0  }
0xa2: {  	[sflag:s23] =	ssyncadd.s32 s6;
	_ =	sdelay $0x1  }
0xa3: {  	s24 =	simm.s32 $0x1B8B  }
0xa4: {  	_ =	swait.ge [sflag:s24], $0x1  }
0xa5: {  	[sflag:s24] =	ssyncset.done $0x0  }
0xa6: {  	s25 =	simm.s32 $0x1B8E;
	[sflag:s24] =	ssyncadd.s32 $0xFFFFFFFF  }
0xa7: {  	s26 =	simm.s32 $execute0_lowered;
	[smem:$0x3FD2] =	sst s25  }
0xa8: {  	s6 =	sshll.u32 s26, $0x1;
	_ =	strace $0x80000046;
	[dreg:$0x1] =	wrdreg $0xFFFFFFFF  }
0xa9: {  	s28 =	simm.s32 $_size_execute0_lowered;
	s5 =	sadd.s32 s5, s6;
	[dreg:$0x0] =	wrdreg $0x0  }
0xaa: {  	s6 =	sshll.u32 s28, $0x1;
	[dreg:$0x2] =	wrdreg s5  }
0xab: {  	[dreg:$0x3] =	wrdreg s6  }
0xac: {  	[dreg:$0x4] =	wrdreg $0xC0  }
0xad: {  	_ =	task [dreg:s9], $0x5FFFF  }
0xae: {  	[dreg:$0x1] =	wrdreg $0xFFFFFFFF  }
0xaf: {  	[dreg:$0x0] =	wrdreg $0x60  }
0xb0: {  	[dreg:$0x2] =	wrdreg s2  }
0xb1: {  	[dreg:$0x3] =	wrdreg s19  }
0xb2: {  	[dreg:$0x4] =	wrdreg s4  }
0xb3: {  	[dreg:$0x5] =	wrdreg $0x9  }
0xb4: {  	_ =	task.clear_ibuf [dreg:s9], $0x6FFFF;
	_ =	strace $0x90000046  }
0xb5: {  	s29 =	simm.s32 $0x9;
	_ =	strace $0x80000048  }
0xb6: {  	_ =	swait.ge [sflag:s29], $0x1  }
0xb7: {  	[sflag:s29] =	ssyncadd.s32 $0xFFFFFFFF  }
0xb8: {  	_ =	strace $0x90000048  }
0xb9: {  	_ =	sfence  }
0xba: {  	s30 =	sld [smem:$0x0];
	_ =	sdelay $0x2  }
0xbb: {  	s31 =	sshll.u32 s1, $0xD;
	s1 =	sshrl.u32 s1, $0x2  }
0xbc: {  	s3 =	sand.u32 $0x4000, s31;
	s1 =	sadd.s32 s1, s30  }
0xbd: {  	s0 =	sor.u32 s3, s0;
	s1 =	sshll.u32 s1, $0x11  }
0xbe: {  	s0 =	sor.u32 s1, s0  }
0xbf: {  	s0 =	sadd.s32 $0x8F2B, s0  }
0xc0: {  	[sflag:s0] =	ssyncadd.remote.s32 $0x1  }
0xc1: {  	_ =	sfence.sel $0xFFFF  }
0xc2: {  	[dreg:$0x0] =	wrdreg $0xFFFFFFFF;
	(pc) =	sbr.abs _section_cstart, $3  }
0xc3: {  	[dreg:$0x1] =	wrdreg $0xFFFFFFFF  }
0xc4: {  	_ =	task.clear_ibuf [dreg:s9], $0x2FFFF;
	_ =	strace $0x9FFFFFFF  }
0xc5: {  	(tm) =	ssettm $0x7FFFFFFF  }
tec
execute0_lowered:
.L_overlay_start_1:
0x0: {  	(tag) =	ssettag $0x1  }
0x1: {  	s0 =	srdreg.scid  }
0x2: {  	s1 =	stileid.u32;
	s0 =	sand.u32 $0x1, s0  }
0x3: {  	s2 =	sshll.u32 s1, $0x7;
	s3 =	sshll.u32 s0, $0x6  }
0x4: {  	s4 =	rddreg [dreg:$0x0];
	s0 =	ssub.s32 $0x2, s0;
	s6 =	sor.u32 s3, s2  }
0x5: {  	s5 =	simm.s32 $0x0;
	s30 =	sshrl.u32 s0, $0x1;
	s2 =	sshll.u32 s6, $0x8  }
0x6: {  	v0 =	vimm.s32 $0x0;
	[smem:$0x7FF] =	sst s5;
	s0 =	ssub.s32 s0, s30;
	s31 =	sadd.s32 s4, s2  }
0x7: {  	v1 =	vimm.s32 $0x1;
	v2 =	vimm.s32 $0x4A52;
	v3 =	vimm.s32 $0x2;
	_ =	strace $0x80000047;
	s0 =	smax.u32 s0, $0x1;
	[dreg:$0x4] =	wrdreg s31  }
0x8: {  	v4 =	vimm.s32 $0x3;
	v5 =	vimm.s32 $0x4;
	v6 =	vimm.s32 $0x5;
	s2 =	sadd.s32 $0x800, s31;
	[dreg:$0x7] =	wrdreg s0  }
0x9: {  	v7 =	vimm.s32 $0x6;
	v9 =	vimm.f32 $1.000000000e+00;
	vm0 =	vcmask $0x300;
	s16 =	simm.s32 $0x1;
	s1 =	sadd.s32 $0x1000, s31;
	[dreg:$0x5] =	wrdreg s2  }
0xa: {  	v8 =	vimm.s32 $0x7;
	v9 =	vsel vm0, $0x0, v9;
	s10 =	sshrl.u32 s6, $0x3;
	v10 =	vmov s6;
	[dreg:$0x6] =	wrdreg s1;
	s2 =	simm.s32 $0x0  }
.LBB2_1:
0xb: {  	[dreg:$0x8] =	wrdreg s2  }
0xc: {  	s0 =	rddreg [dreg:$0x4];
	s1 =	simm.s32 $0x3080  }
0xd: {  	[tilespmem:s1], [sflag:$0x1] =	stream.linear.gather [hbm4b:s0+s5], $0x4000, $0x38;
	[tilespmem:$0x1B080] =	vst v63  }
0xe: {  	s19 =	rddreg [dreg:$0x5];
	s20 =	simm.s32 $0x7080  }
0xf: {  	[tilespmem:s20], [sflag:$0x1] =	stream.linear.gather [hbm4b:s19+s5], $0x4000, $0x38;
	[tilespmem:$0x1B080] =	vst v63  }
0x10: {  	s21 =	rddreg [dreg:$0x6];
	s22 =	simm.s32 $0xB080  }
0x11: {  	[tilespmem:s22], [sflag:$0x1] =	stream.linear.gather [hbm4b:s21+s5], $0x4000, $0x38;
	[tilespmem:$0x1B080] =	vst v63  }
0x12: {  	s23 =	rddreg [dreg:$0x1];
	s24 =	simm.s32 $0x3  }
0x13: {  	[tilespmem:s5], [sflag:$0x3] =	stream.linear.gather [hbm4b:s23+s5], $0x2000, $0x38;
	[tilespmem:$0x1B080] =	vst v63  }
0x14: {  	s25 =	sand.u32 $0x60, s5;
	_ =	swait.ge [sflag:s24], $0x2000  }
0x15: {  	s26 =	sand.u32 $0x1E00, s5;
	s3 =	sor.u32 $0x10, s25;
	[sflag:s24] =	ssyncset.done $0x0  }
0x16: {  	s7 =	sor.u32 s3, s26;
	[sflag:s24] =	ssyncadd.s32 $0xFFFFE000  }
0x17: {  	v11 =	vld [tilespmem:s7+$0x0]  }
0x18: {  	v12 =	vld [tilespmem:s7+$0x80]  }
0x19: {  	v13 =	vld [tilespmem:s7+$0x100]  }
0x1a: {  	s0 =	sor.u32 s25, s26;
	v14 =	vld [tilespmem:s7+$0x180]  }
0x1b: {  	s28 =	simm.s32 $0x20;
	s8 =	simm.s32 $0x80;
	v15 =	vld [tilespmem:s0+$0x0]  }
0x1c: {  	s29 =	sand.u32 $0x60, s28;
	s8 =	sand.u32 $0x1E00, s8;
	v16 =	vld [tilespmem:s0+$0x80]  }
0x1d: {  	s11 =	sor.u32 s29, s8;
	v17 =	vld [tilespmem:s0+$0x100]  }
0x1e: {  	v21 =	vld [tilespmem:s11+$0x0]  }
0x1f: {  	s13 =	sor.u32 $0x10, s29;
	v22 =	vld [tilespmem:s11+$0x80]  }
0x20: {  	s9 =	sor.u32 s13, s8;
	vm0 =	vgt.f32 v12, v11;
	v11 =	vmax.f32 v11, v12;
	v12 =	vld [tilespmem:s0+$0x180]  }
0x21: {  	v18 =	vsel vm0, $0x1, v0;
	vm7 =	vgt.f32 v13, v11;
	v11 =	vmax.f32 v11, v13;
	v13 =	vld [tilespmem:s9+$0x0]  }
0x22: {  	v18 =	vsel vm7, $0x2, v18;
	vm8 =	vgt.f32 v14, v11;
	v11 =	vld [tilespmem:s9+$0x80]  }
0x23: {  	vm9 =	vgt.f32 v16, v15;
	v15 =	vmax.f32 v15, v16;
	v14 =	vsel vm8, $0x3, v18;
	v18 =	vld [tilespmem:s9+$0x100]  }
0x24: {  	v19 =	vld [tilespmem:s9+$0x180];
	vm14 =	vgt.f32 v22, v21;
	v20 =	vsel vm9, $0x1, v0;
	vm10 =	vgt.f32 v17, v15  }
0x25: {  	s0 =	simm.s32 $0x40;
	v15 =	vmax.f32 v15, v17;
	v20 =	vsel vm10, $0x2, v20;
	v16 =	vshll.u32 v14, $0x2  }
0x26: {  	s8 =	simm.s32 $0x100;
	s14 =	sand.u32 $0x60, s0;
	v23 =	vshll.u32 v1, v14;
	v16 =	vshrl.u32 v2, v16;
	vm11 =	vgt.f32 v12, v15  }
0x27: {  	s15 =	sand.u32 $0x1E00, s8;
	v24 =	vld [tilespmem:s11+$0x100];
	s2 =	sor.u32 $0x10, s14;
	v16 =	vand.u32 $0xF, v16;
	vm1 =	vgt.f32 v11, v13;
	v12 =	vmax.f32 v13, v11  }
0x28: {  	s17 =	sor.u32 s2, s15;
	v11 =	vld [tilespmem:s11+$0x180];
	v14 =	vsel vm1, $0x1, v0;
	vm12 =	vgt.f32 v18, v12;
	v15 =	vmax.f32 v12, v18  }
0x29: {  	s30 =	sand.u32 $0x780, s5;
	v13 =	vsel vm11, $0x3, v20;
	v12 =	vld [tilespmem:s17+$0x0];
	v17 =	vsel vm12, $0x2, v14;
	vm13 =	vgt.f32 v19, v15  }
0x2a: {  	s18 =	sor.u32 s30, s3;
	v20 =	vmax.f32 v21, v22;
	v15 =	vshll.u32 v13, $0x2;
	v14 =	vld [tilespmem:s17+$0x80];
	v18 =	vsel vm13, $0x3, v17  }
0x2b: {  	s12 =	simm.s32 $0x4;
	s31 =	sand.u32 $0x780, s28;
	[tilespmem:s18+$0x2000] =	vst v23;
	v21 =	vsel vm14, $0x1, v0;
	v17 =	vshrl.u32 v2, v15;
	v15 =	vld [tilespmem:s17+$0x100];
	v19 =	vshll.u32 v18, $0x2  }
0x2c: {  	s3 =	simm.s32 $0x20;
	s9 =	simm.s32 $0x0;
	[tilespmem:s18+$0x2800] =	vst v16;
	s11 =	sor.u32 s14, s15;
	v16 =	vld [tilespmem:s17+$0x180];
	vm15 =	vgt.f32 v24, v20;
	v13 =	vshll.u32 v1, v13;
	v22 =	vshrl.u32 v2, v19  }
0x2d: {  	s13 =	sor.u32 s31, s13;
	s7 =	simm.s32 $0x40;
	s14 =	simm.s32 $0x60;
	[tilespmem:s9+$0x2000] =	vst v13;
	v13 =	vld [tilespmem:s11+$0x0];
	v19 =	vsel vm15, $0x2, v21;
	v21 =	vmax.f32 v20, v24;
	v20 =	vand.u32 $0xF, v22  }
.LBB2_2:
0x2e: {  	s15 =	sand.u32 $0x60, s14;
	v22 =	vld [tilespmem:s11+$0x80];
	s8 =	sadd.s32 $0x80, s8;
	vm0 =	vgt.f32 v11, v21;
	v18 =	vshll.u32 v1, v18;
	[tilespmem:s13+$0x2800] =	vst v20;
	v11 =	vand.u32 $0xF, v17  }
0x2f: {  	s12 =	sadd.s32 $0x2, s12;
	s17 =	sand.u32 $0x1E00, s8;
	s18 =	sor.u32 $0x10, s15;
	v20 =	vld [tilespmem:s11+$0x100];
	vm1 =	vgt.f32 v14, v12;
	v12 =	vmax.f32 v12, v14;
	v17 =	vsel vm0, $0x3, v19;
	[tilespmem:s9+$0x2800] =	vst v11  }
0x30: {  	p0 =	slt.u32 s12, $0x7E;
	s19 =	sor.u32 s18, s17;
	v11 =	vld [tilespmem:s11+$0x180];
	s11 =	sor.u32 s15, s17;
	v14 =	vsel vm1, $0x1, v0;
	vm0 =	vgt.f32 v15, v12;
	v15 =	vmax.f32 v12, v15;
	[tilespmem:s13+$0x2000] =	vst v18  }
.Ltmp0:
0x31: {  	s9 =	smov.u32 s3;
	s13 =	sshra.s32 s8, $0x2;
	v12 =	vld [tilespmem:s19+$0x0];
	v18 =	vsel vm0, $0x2, v14;
	vm0 =	vgt.f32 v16, v15;
	v15 =	vshll.u32 v17, $0x2;
	(pc) =	sbr.rel @p0 .LBB2_2-.Ltmp0, $4  }
0x32: {  	s3 =	smov.u32 s7;
	v16 =	vshll.u32 v1, v17;
	s7 =	smov.u32 s13;
	v14 =	vld [tilespmem:s19+$0x80];
	v18 =	vsel vm0, $0x3, v18;
	v17 =	vshrl.u32 v2, v15  }
0x33: {  	v15 =	vld [tilespmem:s19+$0x100];
	vm0 =	vgt.f32 v22, v13;
	v21 =	vmax.f32 v13, v22;
	v13 =	vshll.u32 v18, $0x2;
	[tilespmem:s9+$0x2000] =	vst v16  }
0x34: {  	s13 =	sand.u32 $0x780, s0;
	s0 =	smov.u32 s14;
	v16 =	vld [tilespmem:s19+$0x180];
	v19 =	vsel vm0, $0x1, v0;
	vm0 =	vgt.f32 v20, v21;
	v22 =	vshrl.u32 v2, v13  }
0x35: {  	s14 =	sadd.s32 $0x20, s14;
	s13 =	sor.u32 s13, s2;
	s2 =	smov.u32 s18;
	v21 =	vmax.f32 v21, v20;
	v13 =	vld [tilespmem:s11+$0x0];
	v19 =	vsel vm0, $0x2, v19;
	v20 =	vand.u32 $0xF, v22  }
0x36: {  	v22 =	vld [tilespmem:s11+$0x80];
	vm0 =	vgt.f32 v11, v21  }
0x37: {  	v11 =	vshll.u32 v1, v18;
	v56 =	vand.u32 $0xF, v17;
	vm1 =	vgt.f32 v14, v12  }
0x38: {  	v53 =	vld [tilespmem:s11+$0x100];
	v51 =	vmax.f32 v12, v14;
	v54 =	vsel vm0, $0x3, v19;
	v52 =	vsel vm1, $0x1, v0  }
0x39: {  	v55 =	vld [tilespmem:s11+$0x180];
	vm11 =	vgt.f32 v15, v51;
	v12 =	vmax.f32 v51, v15;
	v57 =	vshll.u32 v54, $0x2  }
0x3a: {  	v58 =	vshll.u32 v1, v54;
	v14 =	vsel vm11, $0x2, v52;
	vm12 =	vgt.f32 v16, v12  }
0x3b: {  	[tilespmem:s13+$0x2800] =	vst v20;
	v16 =	vshrl.u32 v2, v57;
	v14 =	vsel vm12, $0x3, v14;
	vm13 =	vgt.f32 v22, v13  }
0x3c: {  	[tilespmem:s9+$0x2800] =	vst v56;
	v59 =	vmax.f32 v13, v22;
	v60 =	vshll.u32 v14, $0x2;
	v61 =	vsel vm13, $0x1, v0  }
0x3d: {  	s0 =	sand.u32 $0x780, s0;
	[tilespmem:s13+$0x2000] =	vst v11;
	vm14 =	vgt.f32 v53, v59;
	v11 =	vshrl.u32 v2, v60;
	v12 =	vmax.f32 v59, v53  }
0x3e: {  	s0 =	sor.u32 s0, s2;
	[tilespmem:s3+$0x2000] =	vst v58;
	v62 =	vsel vm14, $0x2, v61;
	v11 =	vand.u32 $0xF, v11;
	vm15 =	vgt.f32 v55, v12  }
0x3f: {  	[tilespmem:s0+$0x2800] =	vst v11;
	v11 =	vand.u32 $0xF, v16;
	v12 =	vsel vm15, $0x3, v62  }
0x40: {  	v63 =	vshll.u32 v1, v14;
	[tilespmem:s3+$0x2800] =	vst v11;
	v11 =	vshll.u32 v12, $0x2  }
0x41: {  	[tilespmem:s0+$0x2000] =	vst v63;
	v12 =	vshll.u32 v1, v12;
	v11 =	vshrl.u32 v2, v11  }
0x42: {  	[tilespmem:s7+$0x2000] =	vst v12;
	v11 =	vand.u32 $0xF, v11  }
0x43: {  	s19 =	simm.s32 $0x0;
	s20 =	simm.s32 $0x0;
	[tilespmem:s7+$0x2800] =	vst v11  }
.LBB2_4:
0x44: {  	p0 =	sgt.u32 s20, $0x4  }
0x45: {  	s0 =	sadd.s32 @!p0 $0x3, s20  }
0x46: {  	s2 =	sadd.s32 @!p0 s10, s0;
	s0 =	sshll.u32 @!p0 s0, $0xE  }
0x47: {  	s1 =	rddreg [dreg:$0x0];
	s0 =	sand.u32 @!p0 $0xC000, s0;
	s2 =	sshll.u32 @!p0 s2, $0xB  }
0x48: {  	s3 =	simm.s32 @!p0 $0x0;
	s0 =	sor.u32 @!p0 $0x3080, s0;
	s2 =	sadd.s32 @!p0 s1, s2  }
0x49: {  	[tilespmem:s0], [sflag:$0x1] =	stream.linear.gather @!p0 [hbm4b:s2+s3], $0x4000, $0x38;
	[tilespmem:$0x1B080] =	vst v63  }
0x4a: {  	_ =	swait.ge [sflag:s16], $0x4000  }
0x4b: {  	p0 =	slt.u32 s20, $0x2;
	[sflag:s16] =	ssyncset.done $0x0  }
0x4c: {  	s0 =	simm.s32 @!p0 $0x2;
	[sflag:s16] =	ssyncadd.s32 $0xFFFFC000  }
0x4d: {  	_ =	swait.ge @!p0 [sflag:s0], $0x4000  }
0x4e: {  	[sflag:s0] =	ssyncset.done @!p0 $0x0  }
0x4f: {  	s13 =	sshll.u32 s20, $0x3;
	[sflag:s0] =	ssyncadd.s32 @!p0 $0xFFFFC000  }
0x50: {  	s1 =	sand.u32 $0x60, s19;
	v21 =	vld.idx.msk [tilespmem:v10+s13+$0x2800 ss:$0x1], $0xffff  }
0x51: {  	s4 =	sshll.u32 s20, $0xE;
	s14 =	sand.u32 $0x780, s19;
	s8 =	sor.u32 $0x10, s1  }
0x52: {  	s7 =	sand.u32 $0xC000, s4;
	s9 =	sor.u32 s8, s14  }
0x53: {  	s11 =	sand.u32 $0x3C00, s19;
	s0 =	sor.u32 $0x3080, s7;
	v26 =	vld [tilespmem:s9+$0x2000]  }
0x54: {  	s15 =	sadd.s32 s11, s0  }
0x55: {  	s7 =	sadd.s32 s8, s15;
	v11 =	vperm.xlane v21, v0  }
0x56: {  	v12 =	vld [tilespmem:s7+$0x0]  }
0x57: {  	s12 =	simm.s32 $0x2000;
	v16 =	vand.u32 $0xF, v11  }
0x58: {  	v11 =	vld [tilespmem:s12+$0x0];
	v13 =	vand.u32 v26, v16  }
0x59: {  	s3 =	sand.u32 $0x4000, s4;
	v13 =	vperm.xlane v9, v13  }
0x5a: {  	s21 =	sor.u32 $0x13080, s3;
	s23 =	sadd.s32 s1, s15  }
0x5b: {  	s3 =	sadd.s32 s11, s21;
	v14 =	vld [tilespmem:s23+$0x0];
	v12 =	vmul.f32 v12, v13  }
0x5c: {  	s8 =	sadd.s32 s8, s3  }
0x5d: {  	v13 =	vperm.xlane v21, v1;
	v15 =	vand.u32 v11, v16;
	[tilespmem:s8+$0x0] =	vst v12  }
0x5e: {  	v12 =	vperm.xlane v9, v15;
	v15 =	vld [tilespmem:s7+$0x80]  }
0x5f: {  	v18 =	vand.u32 $0xF, v13  }
0x60: {  	v13 =	vand.u32 v26, v18;
	v12 =	vmul.f32 v14, v12  }
0x61: {  	s17 =	simm.s32 $0x20;
	s22 =	sadd.s32 s1, s3;
	v13 =	vperm.xlane v9, v13  }
0x62: {  	s18 =	sand.u32 $0x60, s17;
	[tilespmem:s22+$0x0] =	vst v12  }
0x63: {  	s25 =	sor.u32 $0x10, s18;
	s2 =	sand.u32 $0x780, s17;
	v14 =	vld [tilespmem:s23+$0x80];
	v13 =	vmul.f32 v15, v13  }
0x64: {  	s26 =	simm.s32 $0x100;
	s2 =	sor.u32 s25, s2  }
0x65: {  	s11 =	sand.u32 $0x3C00, s26;
	v17 =	vand.u32 v11, v18;
	v12 =	vld [tilespmem:s2+$0x2000];
	v15 =	vperm.xlane v21, v3;
	[tilespmem:s8+$0x80] =	vst v13  }
0x66: {  	s1 =	sadd.s32 s11, s0;
	v13 =	vperm.xlane v9, v17;
	v17 =	vld [tilespmem:s7+$0x100]  }
0x67: {  	s26 =	sadd.s32 s25, s1;
	v19 =	vand.u32 $0xF, v15  }
0x68: {  	s4 =	simm.s32 $0x2020;
	v15 =	vld [tilespmem:s26+$0x0];
	v20 =	vand.u32 v26, v19;
	v14 =	vmul.f32 v14, v13  }
0x69: {  	v13 =	vld [tilespmem:s4+$0x0];
	v20 =	vperm.xlane v9, v20  }
0x6a: {  	[tilespmem:s22+$0x80] =	vst v14;
	v14 =	vand.u32 v12, v16  }
0x6b: {  	s28 =	sadd.s32 s18, s1;
	v22 =	vld [tilespmem:s23+$0x100];
	v14 =	vperm.xlane v9, v14;
	v17 =	vmul.f32 v17, v20  }
0x6c: {  	v23 =	vld [tilespmem:s28+$0x0]  }
0x6d: {  	s14 =	sadd.s32 s11, s21;
	v24 =	vand.u32 v11, v19;
	v20 =	vperm.xlane v21, v4;
	v14 =	vmul.f32 v15, v14;
	[tilespmem:s8+$0x100] =	vst v17  }
0x6e: {  	s24 =	sadd.s32 s25, s14;
	v15 =	vperm.xlane v9, v24;
	v17 =	vand.u32 v13, v16;
	v24 =	vld [tilespmem:s7+$0x180]  }
0x6f: {  	v20 =	vand.u32 $0xF, v20;
	v17 =	vperm.xlane v9, v17;
	[tilespmem:s24+$0x0] =	vst v14  }
0x70: {  	v14 =	vmul.f32 v22, v15;
	v15 =	vld [tilespmem:s26+$0x80];
	v22 =	vand.u32 v26, v20  }
0x71: {  	v17 =	vmul.f32 v23, v17;
	v22 =	vperm.xlane v9, v22  }
0x72: {  	s25 =	sadd.s32 s18, s14;
	[tilespmem:s22+$0x100] =	vst v14;
	v14 =	vand.u32 v12, v18  }
0x73: {  	s15 =	simm.s32 $0x40;
	v23 =	vld [tilespmem:s23+$0x180];
	[tilespmem:s25+$0x0] =	vst v17;
	v17 =	vperm.xlane v9, v14;
	v22 =	vmul.f32 v24, v22  }
0x74: {  	s17 =	simm.s32 $0x2040;
	s18 =	sand.u32 $0x60, s15;
	v24 =	vld [tilespmem:s28+$0x80]  }
0x75: {  	s1 =	sor.u32 $0x10, s18;
	v25 =	vperm.xlane v21, v5;
	s2 =	sand.u32 $0x780, s15;
	v14 =	vld [tilespmem:s17+$0x0];
	v17 =	vmul.f32 v15, v17;
	[tilespmem:s8+$0x180] =	vst v22  }
0x76: {  	s2 =	sor.u32 s1, s2;
	s4 =	simm.s32 $0x200;
	v15 =	vand.u32 v13, v18;
	v27 =	vld [tilespmem:s7+$0x200]  }
0x77: {  	s11 =	sand.u32 $0x3C00, s4;
	v22 =	vand.u32 $0xF, v25;
	v25 =	vperm.xlane v9, v15;
	v15 =	vld [tilespmem:s2+$0x2000];
	[tilespmem:s24+$0x80] =	vst v17  }
0x78: {  	s12 =	sadd.s32 s11, s0;
	v28 =	vand.u32 v26, v22;
	v17 =	vld [tilespmem:s26+$0x100]  }
0x79: {  	s30 =	sadd.s32 s1, s12;
	v29 =	vand.u32 v11, v20;
	v24 =	vmul.f32 v24, v25;
	v25 =	vperm.xlane v9, v28  }
0x7a: {  	v30 =	vand.u32 v12, v19;
	s29 =	sadd.s32 s18, s12;
	v28 =	vperm.xlane v9, v29;
	v29 =	vld [tilespmem:s30+$0x0]  }
0x7b: {  	v30 =	vperm.xlane v9, v30;
	[tilespmem:s25+$0x80] =	vst v24;
	v24 =	vld [tilespmem:s29+$0x0];
	v25 =	vmul.f32 v27, v25  }
0x7c: {  	v23 =	vmul.f32 v23, v28;
	v31 =	vand.u32 v15, v16;
	v27 =	vperm.xlane v21, v6;
	v28 =	vld [tilespmem:s28+$0x100]  }
0x7d: {  	v32 =	vand.u32 v14, v16;
	v31 =	vperm.xlane v9, v31;
	v17 =	vmul.f32 v17, v30;
	[tilespmem:s8+$0x200] =	vst v25  }
0x7e: {  	[tilespmem:s22+$0x180] =	vst v23;
	v30 =	vperm.xlane v9, v32;
	v25 =	vand.u32 v13, v19;
	v47 =	vld [tilespmem:s7+$0x280]  }
0x7f: {  	s14 =	sadd.s32 s11, s21;
	v23 =	vand.u32 $0xF, v27;
	v27 =	vld [tilespmem:s23+$0x200];
	v29 =	vmul.f32 v29, v31;
	v25 =	vperm.xlane v9, v25;
	[tilespmem:s24+$0x100] =	vst v17  }
0x80: {  	s31 =	sadd.s32 s1, s14;
	v17 =	vmul.f32 v24, v30;
	v24 =	vld [tilespmem:s26+$0x180];
	v30 =	vand.u32 v26, v23  }
0x81: {  	s2 =	sadd.s32 s18, s14;
	[tilespmem:s31+$0x0] =	vst v29;
	v25 =	vmul.f32 v28, v25;
	v28 =	vand.u32 v11, v22;
	v29 =	vperm.xlane v9, v30  }
0x82: {  	v30 =	vld [tilespmem:s30+$0x80];
	v28 =	vperm.xlane v9, v28;
	[tilespmem:s2+$0x0] =	vst v17;
	v17 =	vand.u32 v12, v20  }
0x83: {  	s15 =	simm.s32 $0x2060;
	[tilespmem:s25+$0x100] =	vst v25;
	v25 =	vld [tilespmem:s29+$0x80];
	v31 =	vperm.xlane v9, v17;
	v29 =	vmul.f32 v47, v29  }
0x84: {  	v48 =	vperm.xlane v21, v7;
	v17 =	vld [tilespmem:s15+$0x0];
	v27 =	vmul.f32 v27, v28;
	v28 =	vand.u32 v15, v18  }
0x85: {  	s9 =	simm.s32 $0x60;
	v34 =	vand.u32 v14, v18;
	v33 =	vld [tilespmem:s28+$0x180];
	v28 =	vperm.xlane v9, v28;
	v31 =	vmul.f32 v24, v31;
	[tilespmem:s8+$0x280] =	vst v29  }
0x86: {  	s14 =	sand.u32 $0x60, s9;
	[tilespmem:s22+$0x200] =	vst v27;
	v27 =	vperm.xlane v9, v34;
	v29 =	vld [tilespmem:s7+$0x300]  }
0x87: {  	s17 =	sand.u32 $0x780, s9;
	s15 =	sor.u32 $0x10, s14;
	v24 =	vand.u32 $0xF, v48;
	v49 =	vld [tilespmem:s23+$0x280];
	v28 =	vmul.f32 v30, v28;
	[tilespmem:s24+$0x180] =	vst v31  }
0x88: {  	s11 =	simm.s32 $0x300;
	v54 =	vand.u32 v14, v19;
	s3 =	sor.u32 s15, s17;
	v31 =	vand.u32 v26, v24;
	v27 =	vmul.f32 v25, v27;
	v30 =	vld [tilespmem:s26+$0x200]  }
0x89: {  	v50 =	vand.u32 v13, v20;
	v55 =	vperm.xlane v9, v54;
	s17 =	sand.u32 $0x3C00, s11;
	v25 =	vld [tilespmem:s3+$0x2000];
	[tilespmem:s31+$0x80] =	vst v28;
	v28 =	vperm.xlane v9, v31  }
0x8a: {  	v51 =	vand.u32 v12, v22;
	v21 =	vperm.xlane v21, v8;
	s18 =	sadd.s32 s17, s0;
	v31 =	vperm.xlane v9, v50;
	[tilespmem:s2+$0x80] =	vst v27;
	v27 =	vld [tilespmem:s30+$0x100]  }
0x8b: {  	v35 =	vand.u32 v11, v23;
	v34 =	vperm.xlane v9, v51;
	s3 =	sadd.s32 s15, s18;
	v36 =	vld [tilespmem:s29+$0x100];
	v28 =	vmul.f32 v29, v28  }
0x8c: {  	v53 =	vand.u32 v15, v19;
	s12 =	sadd.s32 s14, s18;
	v52 =	vld [tilespmem:s3+$0x0];
	v29 =	vmul.f32 v33, v31;
	v31 =	vperm.xlane v9, v35  }
0x8d: {  	v37 =	vld [tilespmem:s12+$0x0];
	v35 =	vperm.xlane v9, v53;
	v30 =	vmul.f32 v30, v34;
	[tilespmem:s8+$0x300] =	vst v28  }
0x8e: {  	v21 =	vand.u32 $0xF, v21;
	[tilespmem:s25+$0x180] =	vst v29;
	v29 =	vmul.f32 v49, v31;
	v31 =	vand.u32 v25, v16;
	v28 =	vld [tilespmem:s7+$0x380]  }
0x8f: {  	v56 =	vand.u32 v17, v16;
	v31 =	vperm.xlane v9, v31;
	v27 =	vmul.f32 v27, v35;
	v57 =	vld [tilespmem:s28+$0x200];
	[tilespmem:s24+$0x200] =	vst v30  }
0x90: {  	v59 =	vand.u32 v26, v21;
	[tilespmem:s22+$0x280] =	vst v29;
	v29 =	vperm.xlane v9, v56;
	v30 =	vmul.f32 v36, v55;
	v58 =	vld [tilespmem:s26+$0x280]  }
0x91: {  	v32 =	vperm.xlane v9, v59;
	s17 =	sadd.s32 s17, s21;
	v31 =	vmul.f32 v52, v31;
	[tilespmem:s31+$0x100] =	vst v27;
	v27 =	vand.u32 v13, v22;
	v26 =	vld [tilespmem:s23+$0x300]  }
0x92: {  	v61 =	vand.u32 v12, v23;
	s7 =	sadd.s32 s15, s17;
	v60 =	vmul.f32 v37, v29;
	[tilespmem:s2+$0x100] =	vst v30;
	v29 =	vld [tilespmem:s30+$0x180];
	v27 =	vperm.xlane v9, v27  }
0x93: {  	v62 =	vperm.xlane v9, v61;
	s14 =	sadd.s32 s14, s17;
	v63 =	vand.u32 v11, v24;
	[tilespmem:s7+$0x0] =	vst v31;
	v30 =	vld [tilespmem:s29+$0x180];
	v28 =	vmul.f32 v28, v32  }
0x94: {  	v38 =	vand.u32 v15, v20;
	[tilespmem:s14+$0x0] =	vst v60;
	v32 =	vld [tilespmem:s3+$0x80];
	v31 =	vmul.f32 v57, v27;
	v27 =	vperm.xlane v9, v63  }
0x95: {  	s13 =	sadd.s32 s6, s13;
	v34 =	vperm.xlane v9, v38;
	s15 =	simm.s32 $0x6;
	v35 =	vand.u32 v14, v20;
	v33 =	vld [tilespmem:s12+$0x80];
	[tilespmem:s8+$0x380] =	vst v28;
	s8 =	simm.s32 $0x2080;
	v28 =	vmul.f32 v58, v62  }
.LBB2_5:
0x96: {  	v36 =	vld [tilespmem:s8+$0x0];
	v37 =	vand.u32 v25, v18;
	v35 =	vperm.xlane v9, v35;
	[tilespmem:s25+$0x200] =	vst v31;
	v38 =	vmul.f32 v26, v27;
	s17 =	smov.u32 s7  }
0x97: {  	v27 =	vand.u32 v17, v18;
	s9 =	sadd.s32 $0x20, s9;
	v31 =	vperm.xlane v9, v37;
	v29 =	vmul.f32 v29, v34;
	v34 =	vld [tilespmem:s28+$0x280];
	[tilespmem:s24+$0x280] =	vst v28  }
0x98: {  	s15 =	sadd.s32 $0x2, s15;
	v26 =	vmovc v15;
	v15 =	vmov v25;
	s7 =	sand.u32 $0x60, s9;
	v27 =	vperm.xlane v9, v27;
	v28 =	vmul.f32 v30, v35;
	v30 =	vld [tilespmem:s26+$0x300];
	[tilespmem:s22+$0x300] =	vst v38  }
0x99: {  	v25 =	vand.u32 v13, v23;
	s1 =	sand.u32 $0x780, s9;
	p0 =	slt.u32 s15, $0x7E;
	s18 =	sor.u32 $0x10, s7;
	v31 =	vmul.f32 v32, v31;
	[tilespmem:s31+$0x180] =	vst v29;
	v29 =	vld [tilespmem:s23+$0x380]  }
0x9a: {  	s11 =	sadd.s32 $0x100, s11;
	s1 =	sor.u32 s18, s1;
	v32 =	vperm.xlane v9, v25;
	s23 =	smov.u32 s28;
	v27 =	vmul.f32 v33, v27;
	[tilespmem:s2+$0x180] =	vst v28;
	v28 =	vld [tilespmem:s30+$0x200];
	v33 =	vand.u32 v12, v24  }
0x9b: {  	s4 =	sand.u32 $0x3C00, s11;
	s28 =	smov.u32 s29;
	s29 =	smov.u32 s12;
	v25 =	vld [tilespmem:s1+$0x2000];
	[tilespmem:s17+$0x80] =	vst v31;
	v31 =	vperm.xlane v9, v33;
	v33 =	vand.u32 v11, v21;
	v11 =	vmovc v13;
	v13 =	vmov v14  }
0x9c: {  	v37 =	vand.u32 v26, v22;
	s1 =	sadd.s32 s4, s0;
	[tilespmem:s14+$0x80] =	vst v27;
	v27 =	vld [tilespmem:s3+$0x100];
	v32 =	vmul.f32 v34, v32;
	v33 =	vperm.xlane v9, v33  }
0x9d: {  	v35 =	vperm.xlane v9, v37;
	v14 =	vmovc v17;
	v17 =	vmov v36;
	s12 =	sadd.s32 s7, s1;
	s1 =	sadd.s32 s18, s1;
	v34 =	vld [tilespmem:s29+$0x100];
	v30 =	vmul.f32 v30, v31  }
0x9e: {  	v36 =	vand.u32 v15, v19;
	v31 =	vld [tilespmem:s1+$0x0];
	[tilespmem:s25+$0x280] =	vst v32;
	v29 =	vmul.f32 v29, v33  }
0x9f: {  	v36 =	vperm.xlane v9, v36;
	v33 =	vand.u32 v14, v19;
	v32 =	vld [tilespmem:s12+$0x0];
	v28 =	vmul.f32 v28, v35;
	[tilespmem:s24+$0x300] =	vst v30  }
0xa0: {  	v33 =	vperm.xlane v9, v33;
	v30 =	vand.u32 v25, v16;
	v35 =	vld [tilespmem:s26+$0x380];
	[tilespmem:s22+$0x380] =	vst v29;
	s26 =	smov.u32 s30;
	s30 =	smov.u32 s3;
	s3 =	smov.u32 s1  }
0xa1: {  	v29 =	vand.u32 v17, v16;
	s22 =	smov.u32 s25;
	s25 =	smov.u32 s2;
	s2 =	smov.u32 s14;
	v30 =	vperm.xlane v9, v30;
	v27 =	vmul.f32 v27, v36;
	v36 =	vld [tilespmem:s28+$0x200];
	[tilespmem:s31+$0x200] =	vst v28  }
0xa2: {  	v28 =	vperm.xlane v9, v29;
	v29 =	vmul.f32 v34, v33;
	v37 =	vld [tilespmem:s26+$0x280];
	v33 =	vand.u32 v12, v21;
	v12 =	vmovc v26  }
.Ltmp1:
0xa3: {  	s1 =	sadd.s32 s4, s21;
	v30 =	vmul.f32 v31, v30;
	[tilespmem:s17+$0x100] =	vst v27;
	v27 =	vand.u32 v13, v22;
	v26 =	vld [tilespmem:s23+$0x300];
	v31 =	vperm.xlane v9, v33;
	(pc) =	sbr.rel @p0 .LBB2_5-.Ltmp1, $4  }
0xa4: {  	s14 =	sadd.s32 s7, s1;
	s7 =	sadd.s32 s18, s1;
	v28 =	vmul.f32 v32, v28;
	[tilespmem:s2+$0x100] =	vst v29;
	v29 =	vld [tilespmem:s30+$0x180];
	v27 =	vperm.xlane v9, v27;
	v32 =	vand.u32 v12, v23  }
0xa5: {  	v33 =	vand.u32 v11, v24;
	[tilespmem:s7+$0x0] =	vst v30;
	v30 =	vld [tilespmem:s29+$0x180];
	v38 =	vperm.xlane v9, v32;
	v39 =	vmul.f32 v35, v31  }
0xa6: {  	[tilespmem:s14+$0x0] =	vst v28;
	v32 =	vld [tilespmem:s3+$0x80];
	v28 =	vand.u32 v15, v20;
	v31 =	vmul.f32 v36, v27;
	v27 =	vperm.xlane v9, v33  }
0xa7: {  	s8 =	sadd.s32 $0x20, s8;
	v35 =	vand.u32 v14, v20;
	v33 =	vld [tilespmem:s12+$0x80];
	v34 =	vperm.xlane v9, v28;
	v28 =	vmul.f32 v37, v38;
	[tilespmem:s24+$0x380] =	vst v39;
	s24 =	smov.u32 s31;
	s31 =	smov.u32 s17  }
0xa8: {  	v16 =	vand.u32 v25, v18  }
0xa9: {  	v54 =	vand.u32 v17, v18;
	v16 =	vperm.xlane v9, v16  }
0xaa: {  	v18 =	vperm.xlane v9, v54  }
0xab: {  	v16 =	vmul.f32 v32, v16  }
0xac: {  	v18 =	vmul.f32 v33, v18  }
0xad: {  	[tilespmem:s7+$0x80] =	vst v16  }
0xae: {  	[tilespmem:s14+$0x80] =	vst v18;
	v16 =	vld [tilespmem:s3+$0x100]  }
0xaf: {  	v18 =	vld [tilespmem:s12+$0x100]  }
0xb0: {  	v55 =	vand.u32 v25, v19  }
0xb1: {  	v56 =	vand.u32 v17, v19;
	v32 =	vperm.xlane v9, v55  }
0xb2: {  	v19 =	vperm.xlane v9, v56  }
0xb3: {  	v16 =	vmul.f32 v16, v32  }
0xb4: {  	v18 =	vmul.f32 v18, v19  }
0xb5: {  	[tilespmem:s7+$0x100] =	vst v16  }
0xb6: {  	[tilespmem:s14+$0x100] =	vst v18;
	v16 =	vld [tilespmem:s3+$0x180]  }
0xb7: {  	v57 =	vperm.xlane v9, v35;
	v18 =	vld [tilespmem:s12+$0x180]  }
0xb8: {  	v58 =	vand.u32 v25, v20  }
0xb9: {  	v59 =	vand.u32 v17, v20;
	v32 =	vperm.xlane v9, v58;
	v19 =	vmul.f32 v30, v57  }
0xba: {  	v29 =	vmul.f32 v29, v34;
	v20 =	vperm.xlane v9, v59  }
0xbb: {  	[tilespmem:s2+$0x180] =	vst v19;
	v16 =	vmul.f32 v16, v32  }
0xbc: {  	[tilespmem:s31+$0x180] =	vst v29;
	v61 =	vld [tilespmem:s29+$0x200];
	v18 =	vmul.f32 v18, v20  }
0xbd: {  	v60 =	vld [tilespmem:s30+$0x200];
	[tilespmem:s7+$0x180] =	vst v16  }
0xbe: {  	v35 =	vand.u32 v14, v22;
	[tilespmem:s14+$0x180] =	vst v18;
	v63 =	vld [tilespmem:s3+$0x200]  }
0xbf: {  	v62 =	vand.u32 v15, v22;
	v29 =	vperm.xlane v9, v35;
	v36 =	vld [tilespmem:s12+$0x200]  }
0xc0: {  	v37 =	vand.u32 v25, v22;
	v16 =	vperm.xlane v9, v62  }
0xc1: {  	v39 =	vand.u32 v17, v22;
	[tilespmem:s25+$0x200] =	vst v31;
	v38 =	vperm.xlane v9, v37;
	v20 =	vmul.f32 v61, v29  }
0xc2: {  	v22 =	vperm.xlane v9, v39;
	v40 =	vld [tilespmem:s28+$0x280];
	v16 =	vmul.f32 v60, v16  }
0xc3: {  	[tilespmem:s2+$0x200] =	vst v20;
	v41 =	vmul.f32 v63, v38  }
0xc4: {  	v44 =	vand.u32 v13, v23;
	v45 =	vld [tilespmem:s29+$0x280];
	[tilespmem:s31+$0x200] =	vst v16;
	v43 =	vmul.f32 v36, v22  }
0xc5: {  	v46 =	vperm.xlane v9, v44;
	v42 =	vld [tilespmem:s30+$0x280];
	[tilespmem:s7+$0x200] =	vst v41  }
0xc6: {  	v50 =	vand.u32 v14, v23;
	v48 =	vld [tilespmem:s3+$0x280];
	[tilespmem:s14+$0x200] =	vst v43  }
0xc7: {  	v47 =	vand.u32 v15, v23;
	v20 =	vperm.xlane v9, v50;
	v16 =	vmul.f32 v40, v46;
	v51 =	vld [tilespmem:s12+$0x280]  }
0xc8: {  	v52 =	vand.u32 v25, v23;
	v49 =	vperm.xlane v9, v47  }
0xc9: {  	v53 =	vperm.xlane v9, v52;
	v54 =	vand.u32 v17, v23;
	[tilespmem:s25+$0x280] =	vst v16;
	v55 =	vmul.f32 v45, v20  }
0xca: {  	[tilespmem:s24+$0x280] =	vst v28;
	v56 =	vperm.xlane v9, v54;
	v57 =	vld [tilespmem:s28+$0x300];
	v18 =	vmul.f32 v42, v49  }
0xcb: {  	v28 =	vld [tilespmem:s26+$0x300];
	[tilespmem:s2+$0x280] =	vst v55;
	v58 =	vmul.f32 v48, v53  }
0xcc: {  	v62 =	vand.u32 v13, v24;
	v63 =	vld [tilespmem:s29+$0x300];
	[tilespmem:s31+$0x280] =	vst v18;
	v61 =	vmul.f32 v51, v56  }
0xcd: {  	v59 =	vand.u32 v12, v24;
	v32 =	vmul.f32 v26, v27;
	v20 =	vperm.xlane v9, v62;
	v60 =	vld [tilespmem:s30+$0x300];
	[tilespmem:s7+$0x280] =	vst v58  }
0xce: {  	v37 =	vand.u32 v14, v24;
	v19 =	vperm.xlane v9, v59;
	v34 =	vld [tilespmem:s3+$0x300];
	[tilespmem:s14+$0x280] =	vst v61  }
0xcf: {  	v33 =	vand.u32 v15, v24;
	[tilespmem:s22+$0x300] =	vst v32;
	v40 =	vperm.xlane v9, v37;
	v39 =	vmul.f32 v57, v20;
	v38 =	vld [tilespmem:s12+$0x300]  }
0xd0: {  	v35 =	vmul.f32 v28, v19;
	v36 =	vperm.xlane v9, v33;
	v41 =	vand.u32 v25, v24;
	v42 =	vld [tilespmem:s23+$0x380]  }
0xd1: {  	v45 =	vand.u32 v17, v24;
	v44 =	vperm.xlane v9, v41;
	[tilespmem:s25+$0x300] =	vst v39;
	v47 =	vmul.f32 v63, v40  }
0xd2: {  	v11 =	vand.u32 v11, v21;
	[tilespmem:s24+$0x300] =	vst v35;
	v48 =	vperm.xlane v9, v45;
	v49 =	vld [tilespmem:s28+$0x380];
	v43 =	vmul.f32 v60, v36  }
0xd3: {  	v11 =	vperm.xlane v9, v11;
	v46 =	vld [tilespmem:s26+$0x380];
	[tilespmem:s2+$0x300] =	vst v47;
	v50 =	vmul.f32 v34, v44  }
0xd4: {  	v54 =	vand.u32 v13, v21;
	v55 =	vld [tilespmem:s29+$0x380];
	[tilespmem:s31+$0x300] =	vst v43;
	v53 =	vmul.f32 v38, v48  }
0xd5: {  	v13 =	vperm.xlane v9, v54;
	v51 =	vand.u32 v12, v21;
	v11 =	vmul.f32 v42, v11;
	v52 =	vld [tilespmem:s30+$0x380];
	[tilespmem:s7+$0x300] =	vst v50  }
0xd6: {  	v57 =	vand.u32 v14, v21;
	v12 =	vperm.xlane v9, v51;
	v16 =	vld [tilespmem:s3+$0x380];
	[tilespmem:s14+$0x300] =	vst v53  }
0xd7: {  	v56 =	vand.u32 v15, v21;
	v58 =	vperm.xlane v9, v57;
	[tilespmem:s22+$0x380] =	vst v11;
	v11 =	vmul.f32 v49, v13;
	v18 =	vld [tilespmem:s12+$0x380]  }
0xd8: {  	v59 =	vand.u32 v25, v21;
	v15 =	vperm.xlane v9, v56;
	v12 =	vmul.f32 v46, v12  }
0xd9: {  	s20 =	sadd.s32 $0x1, s20;
	v14 =	vperm.xlane v9, v59;
	v61 =	vand.u32 v17, v21;
	[tilespmem:s25+$0x380] =	vst v11;
	v11 =	vmul.f32 v55, v58  }
0xda: {  	p0 =	sne.s32 s20, $0x8;
	v62 =	vperm.xlane v9, v61;
	[tilespmem:s24+$0x380] =	vst v12;
	v60 =	vmul.f32 v52, v15  }
.Ltmp2:
0xdb: {  	[tilespmem:s2+$0x380] =	vst v11;
	v63 =	vmul.f32 v16, v14;
	(pc) =	sbr.rel @p0 .LBB2_4-.Ltmp2, $4  }
0xdc: {  	[tilespmem:s31+$0x380] =	vst v60;
	v11 =	vmul.f32 v18, v62  }
0xdd: {  	s0 =	sshll.u32 s13, $0x8;
	s1 =	rddreg [dreg:$0x2];
	[tilespmem:s7+$0x380] =	vst v63  }
0xde: {  	s0 =	sadd.s32 s1, s0;
	[tilespmem:s14+$0x380] =	vst v11  }
0xdf: {  	[hbm4b:s0+s5] =	stream.linear.scatter [tilespmem:s21], [sflag:$0x2], $0x4000, $0x38;
	[tilespmem:$0x1B080] =	vst v63  }
0xe0: {  	s1 =	simm.s32 $0x2  }
0xe1: {  	_ =	swait.ge [sflag:s1], $0x4000  }
0xe2: {  	[sflag:s1] =	ssyncset.done $0x0  }
0xe3: {  	[sflag:s1] =	ssyncadd.s32 $0xFFFFC000  }
0xe4: {  	_ =	swait.ge [sflag:s1], $0x4000  }
0xe5: {  	s2 =	rddreg [dreg:$0x8]  }
0xe6: {  	s0 =	rddreg [dreg:$0x7];
	s2 =	sadd.s32 $0x1, s2  }
0xe7: {  	p0 =	sne.s32 s2, s0  }
.Ltmp3:
0xe8: {  	_ = 	snop;
	(pc) =	sbr.rel @p0 .LBB2_1-.Ltmp3, $3  }
0xe9: {  	_ =	sdelay $0x1  }
0xea: {  	[sflag:s1] =	ssyncset.done $0x0  }
0xeb: {  	[sflag:s1] =	ssyncadd.s32 $0xFFFFC000  }
0xec: {  	_ =	sfence.sel $0x180000  }
0xed: {  	[bflag:$0x0] =	sbarrier.arrive $0xFFFF  }
0xee: {  	_ =	strace $0x90000047  }
0xef: {  	s0 =	stileid.u32;
	[bflag:$0x2] =	sbarrier.arrive $0xFFFF  }
0xf0: {  	p0 =	sne.s32 s0, $0x0;
	s0 =	rddreg [dreg:$0x3]  }
0xf1: {  	s0 =	sadd.s32 @!p0 $0x100000, s0  }
0xf2: {  	[sflag:s0] =	ssyncadd.tile.s32 @!p0 $0x1;
	_ =	shalt  }
.Lfunc_end2:
_tile_overlayer_lowered:
.L_overlay_start_2:
0xf3: {  	(tag) =	ssettag $0x2  }
0xf4: {  	s0 =	rddreg [dreg:$0x0];
	s2 =	stileid.u32  }
0xf5: {  	s1 =	rddreg [dreg:$0x1];
	p0 =	sne.s32 s2, $0x0  }
0xf6: {  	s3 =	rddreg [dreg:$0x2];
	[bflag:$0x3] =	sbarrier.arrive $0xFFFF;
	s2 =	simm.s32 @!p0 $0x1C03  }
0xf7: {  	[timem:s3], [sflag:s2] =	dma.local @!p0 [hbm:s0], s1  }
0xf8: {  	s0 =	simm.s32 @!p0 $0x3  }
0xf9: {  	_ =	swait.ge @!p0 [sflag:s0], s1  }
0xfa: {  	s1 =	ssub.s32 @!p0 $0x0, s1;
	[sflag:s0] =	ssyncset.done @!p0 $0x0  }
0xfb: {  	[sflag:s0] =	ssyncadd.s32 @!p0 s1  }
0xfc: {  	[bflag:$0x3] =	sbarrier.arrive $0xFFFF  }
0xfd: {  	_ =	shalt  }

</sc_bundles>
